<compile_context>
chip_gen: v7x
topology: tpu7x:2x2x1
jax: 0.10.2.dev20260603
libtpu: 0.0.44.dev20260713+nightly
codegen_flags: <defaults>
</compile_context>

<pallas_src>
import dataclasses

import jax
import jax.numpy as jnp
from jax import lax
from jax.experimental import pallas as pl
from jax.experimental.pallas import tpu as pltpu
from jax.experimental.pallas import tpu_sc as plsc

N = 10000
E = 160000
CIN = 256
HID = 512
COUT = 256
HALF = 128
NC = 2
NS = 16
NW = NC * NS
L = 16

EPW = E // NW
DEG_FULL = EPW // L
DEG_REM = EPW - DEG_FULL * L

EPT = E // NS
CW = 128
NCH = 79
EPTP = NCH * CW
NBUF = 2
NGRP = (NCH + NBUF - 1) // NBUF
RPC = 80
NRC = N // RPC

ROWS = 400
GRID = N // ROWS

_sc_mesh = plsc.VectorSubcoreMesh(
    core_axis_name="c", subcore_axis_name="s", num_cores=NC, num_subcores=NS
)

_sc_params = pltpu.CompilerParams()
if "needs_layout_passes" in pltpu.CompilerParams.__dataclass_fields__:
    _sc_params = dataclasses.replace(_sc_params, needs_layout_passes=False)


def _deg_body(dst_hbm, out_hbm, idx_buf, deg_buf):
    c = lax.axis_index("c")
    s = lax.axis_index("s")
    wid = s * NC + c

    zero16 = jnp.zeros((L,), jnp.float32)
    one16 = jnp.ones((L,), jnp.float32)

    def zero_step(j, carry):
        deg_buf[pl.ds(j * L, L)] = zero16
        return carry

    lax.fori_loop(0, N // L, zero_step, 0)

    pltpu.sync_copy(dst_hbm.at[pl.ds(wid * EPW, EPW)], idx_buf.at[pl.ds(0, EPW)])

    def step(i, carry):
        v = idx_buf[pl.ds(i * L, L)]
        plsc.addupdate_scatter(deg_buf, [v], one16)
        return carry

    lax.fori_loop(0, DEG_FULL, step, 0)

    lane = lax.iota(jnp.int32, L)
    v = idx_buf[pl.ds(DEG_FULL * L, L)]
    msk = lane < DEG_REM
    v = jnp.where(msk, v, 0)
    ones = jnp.where(msk, one16, zero16)
    plsc.addupdate_scatter(deg_buf, [v], ones)

    pltpu.sync_copy(deg_buf, out_hbm.at[wid])


_deg_kernel = pl.kernel(
    _deg_body,
    out_type=jax.ShapeDtypeStruct((NW, N), jnp.float32),
    mesh=_sc_mesh,
    scratch_types=[
        pltpu.VMEM((EPW + L,), jnp.int32),
        pltpu.VMEM((N,), jnp.float32),
    ],
    compiler_params=_sc_params,
)


def _agg_body(g_hbm, srcs_hbm, dst_hbm, out_hbm,
              acc, sidx, dring, rows, *sems):
    c = lax.axis_index("c")
    s = lax.axis_index("s")
    dsems = sems[:NBUF]
    gsems = sems[NBUF:2 * NBUF]

    def row_chunks(fn):
        def chunk_step(k, carry):
            chunk = k * NS + s

            @pl.when(chunk < NRC)
            def _():
                fn(chunk * RPC)

            return carry

        lax.fori_loop(0, (NRC + NS - 1) // NS, chunk_step, 0)

    def issue(i, b):
        pltpu.async_copy(dst_hbm.at[pl.ds(s * EPTP + i * CW, CW)],
                         dring.at[b], dsems[b])
        pltpu.async_copy(g_hbm.at[sidx.at[i]], rows.at[b], gsems[b])

    pltpu.sync_copy(srcs_hbm.at[c, s], sidx)
    for b in range(NBUF - 1):
        issue(b, b)

    zb = NBUF - 1
    zero16 = jnp.zeros((L,), jnp.float32)

    def zero_row(r, carry):
        for j in range(HALF // L):
            rows[zb, r, pl.ds(j * L, L)] = zero16
        return carry

    lax.fori_loop(0, RPC, zero_row, 0)
    row_chunks(lambda r0: pltpu.sync_copy(rows.at[zb].at[pl.ds(0, RPC)],
                                          acc.at[pl.ds(r0, RPC)]))
    plsc.subcore_barrier()
    issue(zb, zb)

    def group(j, carry):
        for b in range(NBUF):
            i = j * NBUF + b

            @pl.when(i < NCH)
            def _():
                pltpu.make_async_copy(dst_hbm.at[pl.ds(s * EPTP, CW)],
                                      dring.at[b], dsems[b]).wait()
                pltpu.make_async_copy(g_hbm.at[sidx.at[i]], rows.at[b],
                                      gsems[b]).wait()
                pltpu.sync_copy(rows.at[b], acc.at[dring.at[b]], add=True)
                nxt = i + NBUF

                @pl.when(nxt < NCH)
                def _():
                    issue(nxt, b)

        return carry

    lax.fori_loop(0, NGRP, group, 0)
    plsc.subcore_barrier()

    row_chunks(lambda r0: pltpu.sync_copy(
        acc.at[pl.ds(r0, RPC)], out_hbm.at[pl.ds(c * N + r0, RPC)]))


_agg_kernel = pl.kernel(
    _agg_body,
    out_type=jax.ShapeDtypeStruct((NC * N, HALF), jnp.float32),
    mesh=_sc_mesh,
    scratch_types=[
        pltpu.VMEM_SHARED((N + 8, HALF), jnp.float32),
        pltpu.VMEM((NCH, CW), jnp.int32),
        pltpu.VMEM((NBUF, CW), jnp.int32),
        pltpu.VMEM((NBUF, CW, HALF), jnp.float32),
    ] + [pltpu.SemaphoreType.DMA] * (2 * NBUF),
    compiler_params=_sc_params,
)


def _prep_body(degp_ref, x_ref, dinvb_ref, g0_ref):
    deg = jnp.sum(degp_ref[...], axis=0) + 1.0
    dinv = lax.rsqrt(deg)
    dinvb = jnp.broadcast_to(dinv[:, None], (N, HALF))
    dinvb_ref[...] = dinvb
    g0_ref[0] = x_ref[:, :HALF] * dinvb
    g0_ref[1] = x_ref[:, HALF:] * dinvb


def _mid_body(dinvb_ref, a0_ref, g0_ref, w1_ref, b1_ref, w2_ref, g2_ref):
    dinv = dinvb_ref[...]
    z0 = (a0_ref[0] + g0_ref[0]) * dinv
    z1 = (a0_ref[1] + g0_ref[1]) * dinv
    z = jnp.concatenate([z0, z1], axis=1)
    h1 = jnp.dot(z.astype(jnp.bfloat16), w1_ref[...].astype(jnp.bfloat16),
                 preferred_element_type=jnp.float32)
    h1 = jnp.maximum(h1 + b1_ref[...][None, :], 0.0)
    h2 = jnp.dot(h1.astype(jnp.bfloat16), w2_ref[...].astype(jnp.bfloat16),
                 preferred_element_type=jnp.float32)
    g2_ref[0] = h2[:, :HALF] * dinv
    g2_ref[1] = h2[:, HALF:] * dinv


def _epi_body(dinvb_ref, a2_ref, g2_ref, b2_ref, out_ref):
    dinv = dinvb_ref[...]
    b2 = b2_ref[...]
    out_ref[:, :HALF] = (a2_ref[0] + g2_ref[0]) * dinv + b2[:HALF][None, :]
    out_ref[:, HALF:] = (a2_ref[1] + g2_ref[1]) * dinv + b2[HALF:][None, :]


_dinvb_spec = pl.BlockSpec((ROWS, HALF), lambda i: (i, 0))
_half_spec = pl.BlockSpec((2, ROWS, HALF), lambda i: (0, i, 0))

_prep_call = pl.pallas_call(
    _prep_body,
    grid=(1,),
    in_specs=[
        pl.BlockSpec((NW, N), lambda i: (0, 0)),
        pl.BlockSpec((N, CIN), lambda i: (0, 0)),
    ],
    out_specs=[
        pl.BlockSpec((N, HALF), lambda i: (0, 0)),
        pl.BlockSpec((2, N, HALF), lambda i: (0, 0, 0)),
    ],
    out_shape=[
        jax.ShapeDtypeStruct((N, HALF), jnp.float32),
        jax.ShapeDtypeStruct((2, N, HALF), jnp.float32),
    ],
)

_mid_call = pl.pallas_call(
    _mid_body,
    grid=(GRID,),
    in_specs=[
        _dinvb_spec,
        _half_spec,
        _half_spec,
        pl.BlockSpec((CIN, HID), lambda i: (0, 0)),
        pl.BlockSpec((HID,), lambda i: (0,)),
        pl.BlockSpec((HID, COUT), lambda i: (0, 0)),
    ],
    out_specs=_half_spec,
    out_shape=jax.ShapeDtypeStruct((2, N, HALF), jnp.float32),
)

_epi_call = pl.pallas_call(
    _epi_body,
    grid=(GRID,),
    in_specs=[
        _dinvb_spec,
        _half_spec,
        _half_spec,
        pl.BlockSpec((COUT,), lambda i: (0,)),
    ],
    out_specs=pl.BlockSpec((ROWS, COUT), lambda i: (i, 0)),
    out_shape=jax.ShapeDtypeStruct((N, COUT), jnp.float32),
)


def kernel(x, edge_index, W1, b1, W2, b2):
    src = edge_index[0].astype(jnp.int32)
    dst = edge_index[1].astype(jnp.int32)
    srcp = jnp.pad(src.reshape(NS, EPT), ((0, 0), (0, EPTP - EPT)))
    dstp = jnp.pad(dst.reshape(NS, EPT), ((0, 0), (0, EPTP - EPT)),
                   constant_values=N).reshape(-1)
    srcs = jnp.stack([srcp, srcp + N]).reshape(NC, NS, NCH, CW)

    degp = _deg_kernel(dst)
    dinvb, g0 = _prep_call(degp, x)
    a0 = _agg_kernel(g0.reshape(NC * N, HALF), srcs, dstp)
    g2 = _mid_call(dinvb, a0.reshape(2, N, HALF), g0, W1, b1, W2)
    a2 = _agg_kernel(g2.reshape(NC * N, HALF), srcs, dstp)
    return _epi_call(dinvb, a2.reshape(2, N, HALF), g2, b2)

# --- scband reference (transcript-rebuilt; emitter-appended) ---
"""Pipeline reference for scband-traffic-gcn-66168266162569 (READ-ONLY COPY).

The authoritative reference and input builder live on the scoring server;
editing this copy changes nothing except your own understanding.
"""

import jax, jax.numpy as jnp
import numpy as np

N_NODES = 10000
N_EDGES = 160000
IN_CH = 256
HID_CH = 512
OUT_CH = 256


def setup_inputs(seed: int = 0) -> dict:
    key = jax.random.key(seed)
    k1, k2, k3, k4, k5, k6 = jax.random.split(key, 6)
    x = jax.random.normal(k1, (N_NODES, IN_CH), dtype=jnp.float32)
    edge_index = jax.random.randint(k2, (2, N_EDGES), 0, N_NODES, dtype=jnp.int64)
    # Glorot-style init for GCN linear layers (weight stored as [in, out])
    W1 = jax.random.normal(k3, (IN_CH, HID_CH), dtype=jnp.float32) * (1.0 / np.sqrt(IN_CH))
    b1 = jnp.zeros((HID_CH,), dtype=jnp.float32)
    W2 = jax.random.normal(k4, (HID_CH, OUT_CH), dtype=jnp.float32) * (1.0 / np.sqrt(HID_CH))
    b2 = jnp.zeros((OUT_CH,), dtype=jnp.float32)
    return {"x": x, "edge_index": edge_index, "W1": W1, "b1": b1, "W2": W2, "b2": b2}


def gcn_conv(x, edge_index, W, b, n_nodes):
    # PyG GCNConv: out = D^{-1/2} (A + I) D^{-1/2} X W + b
    src = edge_index[0]
    dst = edge_index[1]
    loop = jnp.arange(n_nodes, dtype=src.dtype)
    src = jnp.concatenate([src, loop])
    dst = jnp.concatenate([dst, loop])
    # linear transform first (smaller message dim when out < in, matches PyG order)
    h = x @ W
    deg = jnp.zeros((n_nodes,), dtype=h.dtype).at[dst].add(1.0)
    dinv = jnp.where(deg > 0, jax.lax.rsqrt(deg), 0.0)
    norm = dinv[src] * dinv[dst]
    msg = h[src] * norm[:, None]
    out = jnp.zeros((n_nodes, h.shape[1]), dtype=h.dtype).at[dst].add(msg)
    return out + b


def reference(x, edge_index, W1, b1, W2, b2):
    n_nodes = x.shape[0]
    h = gcn_conv(x, edge_index, W1, b1, n_nodes)
    h = jax.nn.relu(h)
    # dropout p=0.0 / eval mode -> identity
    out = gcn_conv(h, edge_index, W2, b2, n_nodes)
    return out

if __name__ == "__main__":
    import jax
    _d = setup_inputs()
    print(jax.jit(kernel)(*tuple(_d.values())))

</pallas_src>

<mosaic_0001>
#map = affine_map<(d0, d1) -> (0)>
#map1 = affine_map<(d0, d1) -> (0, 0)>
module attributes {stable_mosaic.version = 14 : i64} {
  func.func @_deg_body(%arg0: i32, %arg1: i32, %arg2: memref<160000xi32, #tpu.memory_space<hbm>>, %arg3: memref<32x10000xf32, #tpu.memory_space<hbm>>, %arg4: memref<5016xi32, #tpu.memory_space<vmem>>, %arg5: memref<10000xf32, #tpu.memory_space<vmem>>) attributes {dimension_semantics = [#tpu.dimension_semantics<core_parallel>, #tpu.dimension_semantics<subcore_parallel>], iteration_bounds = array<i64: 2, 16>, scalar_prefetch = 0 : i64, scratch_operands = 2 : i64, tpu.core_type = #tpu.core_type<sc_vector_subcore>, window_params = [{transform_indices = #map}, {transform_indices = #map1}]} {
    %mul3A = arith.constant 2 : i32
    %mul3A_0 = arith.muli %arg1, %mul3A : i32
    %add3A = arith.addi %mul3A_0, %arg0 : i32
    %broadcast_in_dim3A = arith.constant 0.000000e+00 : f32
    %broadcast_in_dim3A_1 = vector.broadcast %broadcast_in_dim3A : f32 to vector<16xf32>
    %broadcast_in_dim3A_2 = arith.constant 1.000000e+00 : f32
    %broadcast_in_dim3A_3 = vector.broadcast %broadcast_in_dim3A_2 : f32 to vector<16xf32>
    %scan3A = arith.constant 0 : i32
    %scan3A_4 = arith.constant 0 : i32
    %scan3A_5 = arith.constant 625 : i32
    %scan3A_6 = arith.addi %scan3A_4, %scan3A_5 : i32
    %scan3A_7 = arith.constant 1 : i32
    scf.for %scan3A_22 = %scan3A_4 to %scan3A_6 step %scan3A_7  : i32 {
      %mul3A_23 = arith.constant 16 : i32
      %mul3A_24 = arith.muli %scan3A_22, %mul3A_23 : i32
      %swap3A = arith.index_cast %mul3A_24 : i32 to index
      %swap3A_25 = tpu.vector_load %arg5[%swap3A] {strides = array<i32>} : memref<10000xf32, #tpu.memory_space<vmem>>, vector<16xf32>,
      tpu.vector_store %arg5[%swap3A], %broadcast_in_dim3A_1 {strides = array<i32>} : memref<10000xf32, #tpu.memory_space<vmem>>, vector<16xf32>,
    }
    %scan3A_8 = arith.constant 625 : i32
    %mul3A_9 = arith.constant 5000 : i32
    %mul3A_10 = arith.muli %add3A, %mul3A_9 : i32
    "tpu.region"() ({
      %run_scoped3A = tpu.sem_alloc : memref<!tpu.dma_semaphore, #tpu.memory_space<semaphore_mem>>
      %dma_start3A = arith.constant 0 : i32
      %dma_start3A_22 = tpu.memref_slice %arg4[%dma_start3A] : memref<5016xi32, #tpu.memory_space<vmem>> -> memref<5000xi32, #tpu.memory_space<vmem>>
      %dma_start3A_23 = tpu.memref_slice %arg2[%mul3A_10] : memref<160000xi32, #tpu.memory_space<hbm>> -> memref<5000xi32, #tpu.memory_space<hbm>>
      %dma_start3A_24 = arith.constant 0 : i32
      %dma_start3A_25 = tpu.memref_slice %arg4[%dma_start3A_24] : memref<5016xi32, #tpu.memory_space<vmem>> -> memref<5000xi32, #tpu.memory_space<vmem>>
      %dma_start3A_26 = tpu.memref_slice %arg2[%mul3A_10] : memref<160000xi32, #tpu.memory_space<hbm>> -> memref<5000xi32, #tpu.memory_space<hbm>>
      tpu.enqueue_dma source(%dma_start3A_26 : memref<5000xi32, #tpu.memory_space<hbm>>) target(%dma_start3A_25 : memref<5000xi32, #tpu.memory_space<vmem>>) target_semaphore(%run_scoped3A : memref<!tpu.dma_semaphore, #tpu.memory_space<semaphore_mem>>)
      %dma_wait3A = arith.constant 0 : i32
      %dma_wait3A_27 = tpu.memref_slice %arg4[%dma_wait3A] : memref<5016xi32, #tpu.memory_space<vmem>> -> memref<5000xi32, #tpu.memory_space<vmem>>
      %dma_wait3A_28 = tpu.memref_slice %arg2[%mul3A_10] : memref<160000xi32, #tpu.memory_space<hbm>> -> memref<5000xi32, #tpu.memory_space<hbm>>
      %dma_wait3A_29 = arith.constant 0 : i32
      %dma_wait3A_30 = tpu.memref_slice %arg4[%dma_wait3A_29] : memref<5016xi32, #tpu.memory_space<vmem>> -> memref<5000xi32, #tpu.memory_space<vmem>>
      %dma_wait3A_31 = tpu.memref_slice %arg2[%mul3A_10] : memref<160000xi32, #tpu.memory_space<hbm>> -> memref<5000xi32, #tpu.memory_space<hbm>>
      tpu.wait_dma2 semaphore(%run_scoped3A : memref<!tpu.dma_semaphore, #tpu.memory_space<semaphore_mem>>) src(%dma_wait3A_31 : memref<5000xi32, #tpu.memory_space<hbm>>) dst(%dma_wait3A_30 : memref<5000xi32, #tpu.memory_space<vmem>>)
      tpu.yield
    }) : () -> ()
    %scan3A_11 = arith.constant 0 : i32
    %scan3A_12 = arith.constant 0 : i32
    %scan3A_13 = arith.constant 312 : i32
    %scan3A_14 = arith.addi %scan3A_12, %scan3A_13 : i32
    %scan3A_15 = arith.constant 1 : i32
    scf.for %scan3A_22 = %scan3A_12 to %scan3A_14 step %scan3A_15  : i32 {
      %mul3A_23 = arith.constant 16 : i32
      %mul3A_24 = arith.muli %scan3A_22, %mul3A_23 : i32
      %get3A_25 = arith.index_cast %mul3A_24 : i32 to index
      %get3A_26 = tpu.vector_load %arg4[%get3A_25] {strides = array<i32>} : memref<5016xi32, #tpu.memory_space<vmem>>, vector<16xi32>,
      tpu.vector_store_idx %arg5[%get3A_26], %broadcast_in_dim3A_3 {add = true} : memref<10000xf32, #tpu.memory_space<vmem>>[vector<16xi32>], vector<16xf32>,
    }
    %scan3A_16 = arith.constant 312 : i32
    %iota3A = tpu.iota {dimensions = array<i32: 0>} : vector<16xi32>
    %get3A = arith.constant 4992 : index
    %get3A_17 = tpu.vector_load %arg4[%get3A] {strides = array<i32>} : memref<5016xi32, #tpu.memory_space<vmem>>, vector<16xi32>,
    %lt3A = arith.constant 8 : i32
    %lt3A_18 = vector.broadcast %lt3A : i32 to vector<16xi32>
    %lt3A_19 = arith.cmpi slt, %iota3A, %lt3A_18 : vector<16xi32>
    %jit3A = arith.constant 0 : i32
    %broadcast_in_dim3A_20 = vector.broadcast %jit3A : i32 to vector<16xi32>
    %select_n3A = arith.select %lt3A_19, %get3A_17, %broadcast_in_dim3A_20 : vector<16xi1>, vector<16xi32>
    %select_n3A_21 = arith.select %lt3A_19, %broadcast_in_dim3A_3, %broadcast_in_dim3A_1 : vector<16xi1>, vector<16xf32>
    tpu.vector_store_idx %arg5[%select_n3A], %select_n3A_21 {add = true} : memref<10000xf32, #tpu.memory_space<vmem>>[vector<16xi32>], vector<16xf32>,
    "tpu.region"() ({
      %run_scoped3A = tpu.sem_alloc : memref<!tpu.dma_semaphore, #tpu.memory_space<semaphore_mem>>
      %dma_start3A = arith.constant 0 : i32
      %dma_start3A_22 = tpu.memref_slice %arg3[%add3A, %dma_start3A] : memref<32x10000xf32, #tpu.memory_space<hbm>> -> memref<1x10000xf32, #tpu.memory_space<hbm>>
      %dma_start3A_23 = tpu.memref_squeeze %dma_start3A_22 : memref<1x10000xf32, #tpu.memory_space<hbm>> -> memref<10000xf32, #tpu.memory_space<hbm>>
      %dma_start3A_24 = arith.constant 0 : i32
      %dma_start3A_25 = tpu.memref_slice %arg3[%add3A, %dma_start3A_24] : memref<32x10000xf32, #tpu.memory_space<hbm>> -> memref<1x10000xf32, #tpu.memory_space<hbm>>
      %dma_start3A_26 = tpu.memref_squeeze %dma_start3A_25 : memref<1x10000xf32, #tpu.memory_space<hbm>> -> memref<10000xf32, #tpu.memory_space<hbm>>
      tpu.enqueue_dma source(%arg5 : memref<10000xf32, #tpu.memory_space<vmem>>) target(%dma_start3A_26 : memref<10000xf32, #tpu.memory_space<hbm>>) target_semaphore(%run_scoped3A : memref<!tpu.dma_semaphore, #tpu.memory_space<semaphore_mem>>)
      %dma_wait3A = arith.constant 0 : i32
      %dma_wait3A_27 = tpu.memref_slice %arg3[%add3A, %dma_wait3A] : memref<32x10000xf32, #tpu.memory_space<hbm>> -> memref<1x10000xf32, #tpu.memory_space<hbm>>
      %dma_wait3A_28 = tpu.memref_squeeze %dma_wait3A_27 : memref<1x10000xf32, #tpu.memory_space<hbm>> -> memref<10000xf32, #tpu.memory_space<hbm>>
      %dma_wait3A_29 = arith.constant 0 : i32
      %dma_wait3A_30 = tpu.memref_slice %arg3[%add3A, %dma_wait3A_29] : memref<32x10000xf32, #tpu.memory_space<hbm>> -> memref<1x10000xf32, #tpu.memory_space<hbm>>
      %dma_wait3A_31 = tpu.memref_squeeze %dma_wait3A_30 : memref<1x10000xf32, #tpu.memory_space<hbm>> -> memref<10000xf32, #tpu.memory_space<hbm>>
      tpu.wait_dma2 semaphore(%run_scoped3A : memref<!tpu.dma_semaphore, #tpu.memory_space<semaphore_mem>>) src(%arg5 : memref<10000xf32, #tpu.memory_space<vmem>>) dst(%dma_wait3A_31 : memref<10000xf32, #tpu.memory_space<hbm>>)
      tpu.yield
    }) : () -> ()
    return
  }
}

#map = affine_map<(d0, d1) -> (0, 0)>
#map1 = affine_map<(d0, d1) -> (0, 0, 0, 0)>
#map2 = affine_map<(d0, d1) -> (0)>
module attributes {stable_mosaic.version = 14 : i64} {
  func.func @_agg_body(%arg0: i32, %arg1: i32, %arg2: memref<20000x128xf32, #tpu.memory_space<hbm>>, %arg3: memref<2x16x79x128xi32, #tpu.memory_space<hbm>>, %arg4: memref<161792xi32, #tpu.memory_space<hbm>>, %arg5: memref<20000x128xf32, #tpu.memory_space<hbm>>, %arg6: memref<10008x128xf32, #tpu.memory_space<vmem_shared>>, %arg7: memref<79x128xi32, #tpu.memory_space<vmem>>, %arg8: memref<2x128xi32, #tpu.memory_space<vmem>>, %arg9: memref<2x128x128xf32, #tpu.memory_space<vmem>>, %arg10: memref<!tpu.dma_semaphore, #tpu.memory_space<semaphore_mem>>, %arg11: memref<!tpu.dma_semaphore, #tpu.memory_space<semaphore_mem>>, %arg12: memref<!tpu.dma_semaphore, #tpu.memory_space<semaphore_mem>>, %arg13: memref<!tpu.dma_semaphore, #tpu.memory_space<semaphore_mem>>) attributes {dimension_semantics = [#tpu.dimension_semantics<core_parallel>, #tpu.dimension_semantics<subcore_parallel>], iteration_bounds = array<i64: 2, 16>, scalar_prefetch = 0 : i64, scratch_operands = 8 : i64, tpu.core_type = #tpu.core_type<sc_vector_subcore>, window_params = [{transform_indices = #map}, {transform_indices = #map1}, {transform_indices = #map2}, {transform_indices = #map}]} {
    "tpu.region"() ({
      %run_scoped3A = tpu.sem_alloc : memref<!tpu.dma_semaphore, #tpu.memory_space<semaphore_mem>>
      %dma_start3A_72 = arith.constant 0 : i32
      %dma_start3A_73 = arith.constant 0 : i32
      %dma_start3A_74 = tpu.memref_slice %arg3[%arg0, %arg1, %dma_start3A_72, %dma_start3A_73] : memref<2x16x79x128xi32, #tpu.memory_space<hbm>> -> memref<1x1x79x128xi32, #tpu.memory_space<hbm>>
      %dma_start3A_75 = tpu.memref_squeeze %dma_start3A_74 : memref<1x1x79x128xi32, #tpu.memory_space<hbm>> -> memref<79x128xi32, #tpu.memory_space<hbm>>
      %dma_start3A_76 = arith.constant 0 : i32
      %dma_start3A_77 = arith.constant 0 : i32
      %dma_start3A_78 = tpu.memref_slice %arg3[%arg0, %arg1, %dma_start3A_76, %dma_start3A_77] : memref<2x16x79x128xi32, #tpu.memory_space<hbm>> -> memref<1x1x79x128xi32, #tpu.memory_space<hbm>>
      %dma_start3A_79 = tpu.memref_squeeze %dma_start3A_78 : memref<1x1x79x128xi32, #tpu.memory_space<hbm>> -> memref<79x128xi32, #tpu.memory_space<hbm>>
      tpu.enqueue_dma source(%dma_start3A_79 : memref<79x128xi32, #tpu.memory_space<hbm>>) target(%arg7 : memref<79x128xi32, #tpu.memory_space<vmem>>) target_semaphore(%run_scoped3A : memref<!tpu.dma_semaphore, #tpu.memory_space<semaphore_mem>>)
      %dma_wait3A = arith.constant 0 : i32
      %dma_wait3A_80 = arith.constant 0 : i32
      %dma_wait3A_81 = tpu.memref_slice %arg3[%arg0, %arg1, %dma_wait3A, %dma_wait3A_80] : memref<2x16x79x128xi32, #tpu.memory_space<hbm>> -> memref<1x1x79x128xi32, #tpu.memory_space<hbm>>
      %dma_wait3A_82 = tpu.memref_squeeze %dma_wait3A_81 : memref<1x1x79x128xi32, #tpu.memory_space<hbm>> -> memref<79x128xi32, #tpu.memory_space<hbm>>
      %dma_wait3A_83 = arith.constant 0 : i32
      %dma_wait3A_84 = arith.constant 0 : i32
      %dma_wait3A_85 = tpu.memref_slice %arg3[%arg0, %arg1, %dma_wait3A_83, %dma_wait3A_84] : memref<2x16x79x128xi32, #tpu.memory_space<hbm>> -> memref<1x1x79x128xi32, #tpu.memory_space<hbm>>
      %dma_wait3A_86 = tpu.memref_squeeze %dma_wait3A_85 : memref<1x1x79x128xi32, #tpu.memory_space<hbm>> -> memref<79x128xi32, #tpu.memory_space<hbm>>
      tpu.wait_dma2 semaphore(%run_scoped3A : memref<!tpu.dma_semaphore, #tpu.memory_space<semaphore_mem>>) src(%dma_wait3A_86 : memref<79x128xi32, #tpu.memory_space<hbm>>) dst(%arg7 : memref<79x128xi32, #tpu.memory_space<vmem>>)
      tpu.yield
    }) : () -> ()
    %mul3A = arith.constant 10112 : i32
    %mul3A_0 = arith.muli %arg1, %mul3A : i32
    %add3A = arith.constant 0 : i32
    %add3A_1 = arith.addi %mul3A_0, %add3A : i32
    %dma_start3A = arith.constant 0 : i32
    %dma_start3A_2 = arith.constant 0 : i32
    %dma_start3A_3 = tpu.memref_slice %arg8[%dma_start3A, %dma_start3A_2] : memref<2x128xi32, #tpu.memory_space<vmem>> -> memref<1x128xi32, #tpu.memory_space<vmem>>
    %dma_start3A_4 = tpu.memref_squeeze %dma_start3A_3 : memref<1x128xi32, #tpu.memory_space<vmem>> -> memref<128xi32, #tpu.memory_space<vmem>>
    %dma_start3A_5 = tpu.memref_slice %arg4[%add3A_1] : memref<161792xi32, #tpu.memory_space<hbm>> -> memref<128xi32, #tpu.memory_space<hbm>>
    %dma_start3A_6 = arith.constant 0 : i32
    %dma_start3A_7 = tpu.memref_slice %arg8[%dma_start3A, %dma_start3A_6] : memref<2x128xi32, #tpu.memory_space<vmem>> -> memref<1x128xi32, #tpu.memory_space<vmem>>
    %dma_start3A_8 = tpu.memref_squeeze %dma_start3A_7 : memref<1x128xi32, #tpu.memory_space<vmem>> -> memref<128xi32, #tpu.memory_space<vmem>>
    %dma_start3A_9 = tpu.memref_slice %arg4[%add3A_1] : memref<161792xi32, #tpu.memory_space<hbm>> -> memref<128xi32, #tpu.memory_space<hbm>>
    tpu.enqueue_dma source(%dma_start3A_9 : memref<128xi32, #tpu.memory_space<hbm>>) target(%dma_start3A_8 : memref<128xi32, #tpu.memory_space<vmem>>) target_semaphore(%arg10 : memref<!tpu.dma_semaphore, #tpu.memory_space<semaphore_mem>>)
    %dma_start3A_10 = arith.constant 0 : i32
    %dma_start3A_11 = arith.constant 0 : i32
    %dma_start3A_12 = arith.constant 0 : i32
    %dma_start3A_13 = arith.constant 0 : i32
    %dma_start3A_14 = tpu.memref_slice %arg9[%dma_start3A_11, %dma_start3A_12, %dma_start3A_13] : memref<2x128x128xf32, #tpu.memory_space<vmem>> -> memref<1x128x128xf32, #tpu.memory_space<vmem>>
    %dma_start3A_15 = tpu.memref_squeeze %dma_start3A_14 : memref<1x128x128xf32, #tpu.memory_space<vmem>> -> memref<128x128xf32, #tpu.memory_space<vmem>>
    %dma_start3A_16 = arith.constant 0 : i32
    %dma_start3A_17 = tpu.memref_slice %arg7[%dma_start3A_10, %dma_start3A_16] : memref<79x128xi32, #tpu.memory_space<vmem>> -> memref<1x128xi32, #tpu.memory_space<vmem>>
    %dma_start3A_18 = tpu.memref_squeeze %dma_start3A_17 : memref<1x128xi32, #tpu.memory_space<vmem>> -> memref<128xi32, #tpu.memory_space<vmem>>
    %dma_start3A_19 = arith.constant 0 : i32
    %dma_start3A_20 = arith.constant 0 : i32
    %dma_start3A_21 = tpu.memref_slice %arg2[%dma_start3A_19, %dma_start3A_20] : memref<20000x128xf32, #tpu.memory_space<hbm>> -> memref<20000x128xf32, #tpu.memory_space<hbm>>
    tpu.enqueue_indirect_dma source(%dma_start3A_21 : memref<20000x128xf32, #tpu.memory_space<hbm>>) target(%dma_start3A_15 : memref<128x128xf32, #tpu.memory_space<vmem>>) offsets(%dma_start3A_18 : memref<128xi32, #tpu.memory_space<vmem>>) semaphore(%arg12 : memref<!tpu.dma_semaphore, #tpu.memory_space<semaphore_mem>>)
    %broadcast_in_dim3A = arith.constant 0.000000e+00 : f32
    %broadcast_in_dim3A_22 = vector.broadcast %broadcast_in_dim3A : f32 to vector<16xf32>
    %scan3A = arith.constant 0 : i32
    %scan3A_23 = arith.constant 0 : i32
    %scan3A_24 = arith.constant 80 : i32
    %scan3A_25 = arith.addi %scan3A_23, %scan3A_24 : i32
    %scan3A_26 = arith.constant 1 : i32
    scf.for %scan3A_72 = %scan3A_23 to %scan3A_25 step %scan3A_26  : i32 {
      %swap3A = arith.constant 1 : i32
      %swap3A_73 = arith.index_cast %swap3A : i32 to index
      %swap3A_74 = arith.index_cast %scan3A_72 : i32 to index
      %swap3A_75 = arith.constant 0 : index
      %swap3A_76 = tpu.vector_load %arg9[%swap3A_73, %swap3A_74, %swap3A_75] {strides = array<i32>} : memref<2x128x128xf32, #tpu.memory_space<vmem>>, vector<16xf32>,
      tpu.vector_store %arg9[%swap3A_73, %swap3A_74, %swap3A_75], %broadcast_in_dim3A_22 {strides = array<i32>} : memref<2x128x128xf32, #tpu.memory_space<vmem>>, vector<16xf32>,
      %swap3A_77 = arith.constant 1 : i32
      %swap3A_78 = arith.index_cast %swap3A_77 : i32 to index
      %swap3A_79 = arith.index_cast %scan3A_72 : i32 to index
      %swap3A_80 = arith.constant 16 : index
      %swap3A_81 = tpu.vector_load %arg9[%swap3A_78, %swap3A_79, %swap3A_80] {strides = array<i32>} : memref<2x128x128xf32, #tpu.memory_space<vmem>>, vector<16xf32>,
      tpu.vector_store %arg9[%swap3A_78, %swap3A_79, %swap3A_80], %broadcast_in_dim3A_22 {strides = array<i32>} : memref<2x128x128xf32, #tpu.memory_space<vmem>>, vector<16xf32>,
      %swap3A_82 = arith.constant 1 : i32
      %swap3A_83 = arith.index_cast %swap3A_82 : i32 to index
      %swap3A_84 = arith.index_cast %scan3A_72 : i32 to index
      %swap3A_85 = arith.constant 32 : index
      %swap3A_86 = tpu.vector_load %arg9[%swap3A_83, %swap3A_84, %swap3A_85] {strides = array<i32>} : memref<2x128x128xf32, #tpu.memory_space<vmem>>, vector<16xf32>,
      tpu.vector_store %arg9[%swap3A_83, %swap3A_84, %swap3A_85], %broadcast_in_dim3A_22 {strides = array<i32>} : memref<2x128x128xf32, #tpu.memory_space<vmem>>, vector<16xf32>,
      %swap3A_87 = arith.constant 1 : i32
      %swap3A_88 = arith.index_cast %swap3A_87 : i32 to index
      %swap3A_89 = arith.index_cast %scan3A_72 : i32 to index
      %swap3A_90 = arith.constant 48 : index
      %swap3A_91 = tpu.vector_load %arg9[%swap3A_88, %swap3A_89, %swap3A_90] {strides = array<i32>} : memref<2x128x128xf32, #tpu.memory_space<vmem>>, vector<16xf32>,
      tpu.vector_store %arg9[%swap3A_88, %swap3A_89, %swap3A_90], %broadcast_in_dim3A_22 {strides = array<i32>} : memref<2x128x128xf32, #tpu.memory_space<vmem>>, vector<16xf32>,
      %swap3A_92 = arith.constant 1 : i32
      %swap3A_93 = arith.index_cast %swap3A_92 : i32 to index
      %swap3A_94 = arith.index_cast %scan3A_72 : i32 to index
      %swap3A_95 = arith.constant 64 : index
      %swap3A_96 = tpu.vector_load %arg9[%swap3A_93, %swap3A_94, %swap3A_95] {strides = array<i32>} : memref<2x128x128xf32, #tpu.memory_space<vmem>>, vector<16xf32>,
      tpu.vector_store %arg9[%swap3A_93, %swap3A_94, %swap3A_95], %broadcast_in_dim3A_22 {strides = array<i32>} : memref<2x128x128xf32, #tpu.memory_space<vmem>>, vector<16xf32>,
      %swap3A_97 = arith.constant 1 : i32
      %swap3A_98 = arith.index_cast %swap3A_97 : i32 to index
      %swap3A_99 = arith.index_cast %scan3A_72 : i32 to index
      %swap3A_100 = arith.constant 80 : index
      %swap3A_101 = tpu.vector_load %arg9[%swap3A_98, %swap3A_99, %swap3A_100] {strides = array<i32>} : memref<2x128x128xf32, #tpu.memory_space<vmem>>, vector<16xf32>,
      tpu.vector_store %arg9[%swap3A_98, %swap3A_99, %swap3A_100], %broadcast_in_dim3A_22 {strides = array<i32>} : memref<2x128x128xf32, #tpu.memory_space<vmem>>, vector<16xf32>,
      %swap3A_102 = arith.constant 1 : i32
      %swap3A_103 = arith.index_cast %swap3A_102 : i32 to index
      %swap3A_104 = arith.index_cast %scan3A_72 : i32 to index
      %swap3A_105 = arith.constant 96 : index
      %swap3A_106 = tpu.vector_load %arg9[%swap3A_103, %swap3A_104, %swap3A_105] {strides = array<i32>} : memref<2x128x128xf32, #tpu.memory_space<vmem>>, vector<16xf32>,
      tpu.vector_store %arg9[%swap3A_103, %swap3A_104, %swap3A_105], %broadcast_in_dim3A_22 {strides = array<i32>} : memref<2x128x128xf32, #tpu.memory_space<vmem>>, vector<16xf32>,
      %swap3A_107 = arith.constant 1 : i32
      %swap3A_108 = arith.index_cast %swap3A_107 : i32 to index
      %swap3A_109 = arith.index_cast %scan3A_72 : i32 to index
      %swap3A_110 = arith.constant 112 : index
      %swap3A_111 = tpu.vector_load %arg9[%swap3A_108, %swap3A_109, %swap3A_110] {strides = array<i32>} : memref<2x128x128xf32, #tpu.memory_space<vmem>>, vector<16xf32>,
      tpu.vector_store %arg9[%swap3A_108, %swap3A_109, %swap3A_110], %broadcast_in_dim3A_22 {strides = array<i32>} : memref<2x128x128xf32, #tpu.memory_space<vmem>>, vector<16xf32>,
    }
    %scan3A_27 = arith.constant 80 : i32
    %scan3A_28 = arith.constant 0 : i32
    %scan3A_29 = arith.constant 0 : i32
    %scan3A_30 = arith.constant 8 : i32
    %scan3A_31 = arith.addi %scan3A_29, %scan3A_30 : i32
    %scan3A_32 = arith.constant 1 : i32
    scf.for %scan3A_72 = %scan3A_29 to %scan3A_31 step %scan3A_32  : i32 {
      %mul3A_73 = arith.constant 16 : i32
      %mul3A_74 = arith.muli %scan3A_72, %mul3A_73 : i32
      %add3A_75 = arith.addi %mul3A_74, %arg1 : i32
      %lt3A = arith.constant 125 : i32
      %lt3A_76 = arith.cmpi slt, %add3A_75, %lt3A : i32
      %convert_element_type3A = arith.extui %lt3A_76 : i1 to i32
      %cond3A = arith.constant 0 : i32
      %cond3A_77 = arith.cmpi ne, %convert_element_type3A, %cond3A : i32
      scf.if %cond3A_77 {
        %mul3A_78 = arith.constant 80 : i32
        %mul3A_79 = arith.muli %add3A_75, %mul3A_78 : i32
        %run_scoped3A = arith.constant 1 : i32
        "tpu.region"() ({
          %run_scoped3A_80 = tpu.sem_alloc : memref<!tpu.dma_semaphore, #tpu.memory_space<semaphore_mem>>
          %dma_start3A_81 = arith.constant 0 : i32
          %dma_start3A_82 = arith.constant 0 : i32
          %dma_start3A_83 = tpu.memref_slice %arg9[%run_scoped3A, %dma_start3A_81, %dma_start3A_82] : memref<2x128x128xf32, #tpu.memory_space<vmem>> -> memref<1x128x128xf32, #tpu.memory_space<vmem>>
          %dma_start3A_84 = tpu.memref_squeeze %dma_start3A_83 : memref<1x128x128xf32, #tpu.memory_space<vmem>> -> memref<128x128xf32, #tpu.memory_space<vmem>>
          %dma_start3A_85 = arith.constant 0 : i32
          %dma_start3A_86 = arith.constant 0 : i32
          %dma_start3A_87 = tpu.memref_slice %dma_start3A_84[%dma_start3A_85, %dma_start3A_86] : memref<128x128xf32, #tpu.memory_space<vmem>> -> memref<80x128xf32, #tpu.memory_space<vmem>>
          %dma_start3A_88 = arith.constant 0 : i32
          %dma_start3A_89 = tpu.memref_slice %arg6[%mul3A_79, %dma_start3A_88] : memref<10008x128xf32, #tpu.memory_space<vmem_shared>> -> memref<80x128xf32, #tpu.memory_space<vmem_shared>>
          %dma_start3A_90 = arith.constant 0 : i32
          %dma_start3A_91 = tpu.memref_slice %arg6[%mul3A_79, %dma_start3A_90] : memref<10008x128xf32, #tpu.memory_space<vmem_shared>> -> memref<80x128xf32, #tpu.memory_space<vmem_shared>>
          %dma_start3A_92 = arith.constant 0 : i32
          %dma_start3A_93 = arith.constant 0 : i32
          %dma_start3A_94 = tpu.memref_slice %arg9[%run_scoped3A, %dma_start3A_92, %dma_start3A_93] : memref<2x128x128xf32, #tpu.memory_space<vmem>> -> memref<1x128x128xf32, #tpu.memory_space<vmem>>
          %dma_start3A_95 = tpu.memref_squeeze %dma_start3A_94 : memref<1x128x128xf32, #tpu.memory_space<vmem>> -> memref<128x128xf32, #tpu.memory_space<vmem>>
          %dma_start3A_96 = arith.constant 0 : i32
          %dma_start3A_97 = arith.constant 0 : i32
          %dma_start3A_98 = tpu.memref_slice %dma_start3A_95[%dma_start3A_96, %dma_start3A_97] : memref<128x128xf32, #tpu.memory_space<vmem>> -> memref<80x128xf32, #tpu.memory_space<vmem>>
          tpu.enqueue_dma source(%dma_start3A_98 : memref<80x128xf32, #tpu.memory_space<vmem>>) target(%dma_start3A_91 : memref<80x128xf32, #tpu.memory_space<vmem_shared>>) target_semaphore(%run_scoped3A_80 : memref<!tpu.dma_semaphore, #tpu.memory_space<semaphore_mem>>)
          %dma_wait3A = arith.constant 0 : i32
          %dma_wait3A_99 = arith.constant 0 : i32
          %dma_wait3A_100 = tpu.memref_slice %arg9[%run_scoped3A, %dma_wait3A, %dma_wait3A_99] : memref<2x128x128xf32, #tpu.memory_space<vmem>> -> memref<1x128x128xf32, #tpu.memory_space<vmem>>
          %dma_wait3A_101 = tpu.memref_squeeze %dma_wait3A_100 : memref<1x128x128xf32, #tpu.memory_space<vmem>> -> memref<128x128xf32, #tpu.memory_space<vmem>>
          %dma_wait3A_102 = arith.constant 0 : i32
          %dma_wait3A_103 = arith.constant 0 : i32
          %dma_wait3A_104 = tpu.memref_slice %dma_wait3A_101[%dma_wait3A_102, %dma_wait3A_103] : memref<128x128xf32, #tpu.memory_space<vmem>> -> memref<80x128xf32, #tpu.memory_space<vmem>>
          %dma_wait3A_105 = arith.constant 0 : i32
          %dma_wait3A_106 = tpu.memref_slice %arg6[%mul3A_79, %dma_wait3A_105] : memref<10008x128xf32, #tpu.memory_space<vmem_shared>> -> memref<80x128xf32, #tpu.memory_space<vmem_shared>>
          %dma_wait3A_107 = arith.constant 0 : i32
          %dma_wait3A_108 = tpu.memref_slice %arg6[%mul3A_79, %dma_wait3A_107] : memref<10008x128xf32, #tpu.memory_space<vmem_shared>> -> memref<80x128xf32, #tpu.memory_space<vmem_shared>>
          %dma_wait3A_109 = arith.constant 0 : i32
          %dma_wait3A_110 = arith.constant 0 : i32
          %dma_wait3A_111 = tpu.memref_slice %arg9[%run_scoped3A, %dma_wait3A_109, %dma_wait3A_110] : memref<2x128x128xf32, #tpu.memory_space<vmem>> -> memref<1x128x128xf32, #tpu.memory_space<vmem>>
          %dma_wait3A_112 = tpu.memref_squeeze %dma_wait3A_111 : memref<1x128x128xf32, #tpu.memory_space<vmem>> -> memref<128x128xf32, #tpu.memory_space<vmem>>
          %dma_wait3A_113 = arith.constant 0 : i32
          %dma_wait3A_114 = arith.constant 0 : i32
          %dma_wait3A_115 = tpu.memref_slice %dma_wait3A_112[%dma_wait3A_113, %dma_wait3A_114] : memref<128x128xf32, #tpu.memory_space<vmem>> -> memref<80x128xf32, #tpu.memory_space<vmem>>
          tpu.wait_dma2 semaphore(%run_scoped3A_80 : memref<!tpu.dma_semaphore, #tpu.memory_space<semaphore_mem>>) src(%dma_wait3A_115 : memref<80x128xf32, #tpu.memory_space<vmem>>) dst(%dma_wait3A_108 : memref<80x128xf32, #tpu.memory_space<vmem_shared>>)
          tpu.yield
        }) : () -> ()
      } else {
      }
    }
    %scan3A_33 = arith.constant 8 : i32
    %barrier3A = arith.constant 0 : index
    tpu.barrier barrier_id(%barrier3A)
    %mul3A_34 = arith.constant 10112 : i32
    %mul3A_35 = arith.muli %arg1, %mul3A_34 : i32
    %add3A_36 = arith.constant 128 : i32
    %add3A_37 = arith.addi %mul3A_35, %add3A_36 : i32
    %dma_start3A_38 = arith.constant 1 : i32
    %dma_start3A_39 = arith.constant 0 : i32
    %dma_start3A_40 = tpu.memref_slice %arg8[%dma_start3A_38, %dma_start3A_39] : memref<2x128xi32, #tpu.memory_space<vmem>> -> memref<1x128xi32, #tpu.memory_space<vmem>>
    %dma_start3A_41 = tpu.memref_squeeze %dma_start3A_40 : memref<1x128xi32, #tpu.memory_space<vmem>> -> memref<128xi32, #tpu.memory_space<vmem>>
    %dma_start3A_42 = tpu.memref_slice %arg4[%add3A_37] : memref<161792xi32, #tpu.memory_space<hbm>> -> memref<128xi32, #tpu.memory_space<hbm>>
    %dma_start3A_43 = arith.constant 0 : i32
    %dma_start3A_44 = tpu.memref_slice %arg8[%dma_start3A_38, %dma_start3A_43] : memref<2x128xi32, #tpu.memory_space<vmem>> -> memref<1x128xi32, #tpu.memory_space<vmem>>
    %dma_start3A_45 = tpu.memref_squeeze %dma_start3A_44 : memref<1x128xi32, #tpu.memory_space<vmem>> -> memref<128xi32, #tpu.memory_space<vmem>>
    %dma_start3A_46 = tpu.memref_slice %arg4[%add3A_37] : memref<161792xi32, #tpu.memory_space<hbm>> -> memref<128xi32, #tpu.memory_space<hbm>>
    tpu.enqueue_dma source(%dma_start3A_46 : memref<128xi32, #tpu.memory_space<hbm>>) target(%dma_start3A_45 : memref<128xi32, #tpu.memory_space<vmem>>) target_semaphore(%arg11 : memref<!tpu.dma_semaphore, #tpu.memory_space<semaphore_mem>>)
    %dma_start3A_47 = arith.constant 1 : i32
    %dma_start3A_48 = arith.constant 1 : i32
    %dma_start3A_49 = arith.constant 0 : i32
    %dma_start3A_50 = arith.constant 0 : i32
    %dma_start3A_51 = tpu.memref_slice %arg9[%dma_start3A_48, %dma_start3A_49, %dma_start3A_50] : memref<2x128x128xf32, #tpu.memory_space<vmem>> -> memref<1x128x128xf32, #tpu.memory_space<vmem>>
    %dma_start3A_52 = tpu.memref_squeeze %dma_start3A_51 : memref<1x128x128xf32, #tpu.memory_space<vmem>> -> memref<128x128xf32, #tpu.memory_space<vmem>>
    %dma_start3A_53 = arith.constant 0 : i32
    %dma_start3A_54 = tpu.memref_slice %arg7[%dma_start3A_47, %dma_start3A_53] : memref<79x128xi32, #tpu.memory_space<vmem>> -> memref<1x128xi32, #tpu.memory_space<vmem>>
    %dma_start3A_55 = tpu.memref_squeeze %dma_start3A_54 : memref<1x128xi32, #tpu.memory_space<vmem>> -> memref<128xi32, #tpu.memory_space<vmem>>
    %dma_start3A_56 = arith.constant 0 : i32
    %dma_start3A_57 = arith.constant 0 : i32
    %dma_start3A_58 = tpu.memref_slice %arg2[%dma_start3A_56, %dma_start3A_57] : memref<20000x128xf32, #tpu.memory_space<hbm>> -> memref<20000x128xf32, #tpu.memory_space<hbm>>
    tpu.enqueue_indirect_dma source(%dma_start3A_58 : memref<20000x128xf32, #tpu.memory_space<hbm>>) target(%dma_start3A_52 : memref<128x128xf32, #tpu.memory_space<vmem>>) offsets(%dma_start3A_55 : memref<128xi32, #tpu.memory_space<vmem>>) semaphore(%arg13 : memref<!tpu.dma_semaphore, #tpu.memory_space<semaphore_mem>>)
    %scan3A_59 = arith.constant 0 : i32
    %scan3A_60 = arith.constant 0 : i32
    %scan3A_61 = arith.constant 40 : i32
    %scan3A_62 = arith.addi %scan3A_60, %scan3A_61 : i32
    %scan3A_63 = arith.constant 1 : i32
    scf.for %scan3A_72 = %scan3A_60 to %scan3A_62 step %scan3A_63  : i32 {
      %mul3A_73 = arith.constant 2 : i32
      %mul3A_74 = arith.muli %scan3A_72, %mul3A_73 : i32
      %add3A_75 = arith.constant 0 : i32
      %add3A_76 = arith.addi %mul3A_74, %add3A_75 : i32
      %lt3A = arith.constant 79 : i32
      %lt3A_77 = arith.cmpi slt, %add3A_76, %lt3A : i32
      %convert_element_type3A = arith.extui %lt3A_77 : i1 to i32
      %cond3A = arith.constant 0 : i32
      %cond3A_78 = arith.cmpi ne, %convert_element_type3A, %cond3A : i32
      scf.if %cond3A_78 {
        %mul3A_88 = arith.constant 10112 : i32
        %mul3A_89 = arith.muli %arg1, %mul3A_88 : i32
        %dma_wait3A = arith.constant 0 : i32
        %dma_wait3A_90 = arith.constant 0 : i32
        %dma_wait3A_91 = tpu.memref_slice %arg8[%dma_wait3A, %dma_wait3A_90] : memref<2x128xi32, #tpu.memory_space<vmem>> -> memref<1x128xi32, #tpu.memory_space<vmem>>
        %dma_wait3A_92 = tpu.memref_squeeze %dma_wait3A_91 : memref<1x128xi32, #tpu.memory_space<vmem>> -> memref<128xi32, #tpu.memory_space<vmem>>
        %dma_wait3A_93 = tpu.memref_slice %arg4[%mul3A_89] : memref<161792xi32, #tpu.memory_space<hbm>> -> memref<128xi32, #tpu.memory_space<hbm>>
        %dma_wait3A_94 = arith.constant 0 : i32
        %dma_wait3A_95 = tpu.memref_slice %arg8[%dma_wait3A, %dma_wait3A_94] : memref<2x128xi32, #tpu.memory_space<vmem>> -> memref<1x128xi32, #tpu.memory_space<vmem>>
        %dma_wait3A_96 = tpu.memref_squeeze %dma_wait3A_95 : memref<1x128xi32, #tpu.memory_space<vmem>> -> memref<128xi32, #tpu.memory_space<vmem>>
        %dma_wait3A_97 = tpu.memref_slice %arg4[%mul3A_89] : memref<161792xi32, #tpu.memory_space<hbm>> -> memref<128xi32, #tpu.memory_space<hbm>>
        tpu.wait_dma2 semaphore(%arg10 : memref<!tpu.dma_semaphore, #tpu.memory_space<semaphore_mem>>) src(%dma_wait3A_97 : memref<128xi32, #tpu.memory_space<hbm>>) dst(%dma_wait3A_96 : memref<128xi32, #tpu.memory_space<vmem>>)
        %dma_wait3A_98 = arith.constant 0 : i32
        %dma_wait3A_99 = arith.constant 0 : i32
        %dma_wait3A_100 = arith.constant 0 : i32
        %dma_wait3A_101 = tpu.memref_slice %arg9[%dma_wait3A_98, %dma_wait3A_99, %dma_wait3A_100] : memref<2x128x128xf32, #tpu.memory_space<vmem>> -> memref<1x128x128xf32, #tpu.memory_space<vmem>>
        %dma_wait3A_102 = tpu.memref_squeeze %dma_wait3A_101 : memref<1x128x128xf32, #tpu.memory_space<vmem>> -> memref<128x128xf32, #tpu.memory_space<vmem>>
        %dma_wait3A_103 = arith.constant 0 : i32
        %dma_wait3A_104 = tpu.memref_slice %arg7[%add3A_76, %dma_wait3A_103] : memref<79x128xi32, #tpu.memory_space<vmem>> -> memref<1x128xi32, #tpu.memory_space<vmem>>
        %dma_wait3A_105 = tpu.memref_squeeze %dma_wait3A_104 : memref<1x128xi32, #tpu.memory_space<vmem>> -> memref<128xi32, #tpu.memory_space<vmem>>
        %dma_wait3A_106 = arith.constant 0 : i32
        %dma_wait3A_107 = arith.constant 0 : i32
        %dma_wait3A_108 = tpu.memref_slice %arg2[%dma_wait3A_106, %dma_wait3A_107] : memref<20000x128xf32, #tpu.memory_space<hbm>> -> memref<20000x128xf32, #tpu.memory_space<hbm>>
        tpu.wait_indirect_dma semaphore(%arg12 : memref<!tpu.dma_semaphore, #tpu.memory_space<semaphore_mem>>) src(%dma_wait3A_108 : memref<20000x128xf32, #tpu.memory_space<hbm>>) dst(%dma_wait3A_102 : memref<128x128xf32, #tpu.memory_space<vmem>>)
        %run_scoped3A = arith.constant 0 : i32
        %run_scoped3A_109 = arith.constant 0 : i32
        "tpu.region"() ({
          %run_scoped3A_117 = tpu.sem_alloc : memref<!tpu.dma_semaphore, #tpu.memory_space<semaphore_mem>>
          %dma_start3A_118 = arith.constant 0 : i32
          %dma_start3A_119 = arith.constant 0 : i32
          %dma_start3A_120 = tpu.memref_slice %arg9[%run_scoped3A, %dma_start3A_118, %dma_start3A_119] : memref<2x128x128xf32, #tpu.memory_space<vmem>> -> memref<1x128x128xf32, #tpu.memory_space<vmem>>
          %dma_start3A_121 = tpu.memref_squeeze %dma_start3A_120 : memref<1x128x128xf32, #tpu.memory_space<vmem>> -> memref<128x128xf32, #tpu.memory_space<vmem>>
          %dma_start3A_122 = arith.constant 0 : i32
          %dma_start3A_123 = tpu.memref_slice %arg8[%run_scoped3A_109, %dma_start3A_122] : memref<2x128xi32, #tpu.memory_space<vmem>> -> memref<1x128xi32, #tpu.memory_space<vmem>>
          %dma_start3A_124 = tpu.memref_squeeze %dma_start3A_123 : memref<1x128xi32, #tpu.memory_space<vmem>> -> memref<128xi32, #tpu.memory_space<vmem>>
          %dma_start3A_125 = arith.constant 0 : i32
          %dma_start3A_126 = arith.constant 0 : i32
          %dma_start3A_127 = tpu.memref_slice %arg6[%dma_start3A_125, %dma_start3A_126] : memref<10008x128xf32, #tpu.memory_space<vmem_shared>> -> memref<10008x128xf32, #tpu.memory_space<vmem_shared>>
          tpu.enqueue_indirect_dma source(%dma_start3A_121 : memref<128x128xf32, #tpu.memory_space<vmem>>) target(%dma_start3A_127 : memref<10008x128xf32, #tpu.memory_space<vmem_shared>>) offsets(%dma_start3A_124 : memref<128xi32, #tpu.memory_space<vmem>>) semaphore(%run_scoped3A_117 : memref<!tpu.dma_semaphore, #tpu.memory_space<semaphore_mem>>) {add = true}
          %dma_wait3A_128 = arith.constant 0 : i32
          %dma_wait3A_129 = arith.constant 0 : i32
          %dma_wait3A_130 = tpu.memref_slice %arg9[%run_scoped3A, %dma_wait3A_128, %dma_wait3A_129] : memref<2x128x128xf32, #tpu.memory_space<vmem>> -> memref<1x128x128xf32, #tpu.memory_space<vmem>>
          %dma_wait3A_131 = tpu.memref_squeeze %dma_wait3A_130 : memref<1x128x128xf32, #tpu.memory_space<vmem>> -> memref<128x128xf32, #tpu.memory_space<vmem>>
          %dma_wait3A_132 = arith.constant 0 : i32
          %dma_wait3A_133 = tpu.memref_slice %arg8[%run_scoped3A_109, %dma_wait3A_132] : memref<2x128xi32, #tpu.memory_space<vmem>> -> memref<1x128xi32, #tpu.memory_space<vmem>>
          %dma_wait3A_134 = tpu.memref_squeeze %dma_wait3A_133 : memref<1x128xi32, #tpu.memory_space<vmem>> -> memref<128xi32, #tpu.memory_space<vmem>>
          %dma_wait3A_135 = arith.constant 0 : i32
          %dma_wait3A_136 = arith.constant 0 : i32
          %dma_wait3A_137 = tpu.memref_slice %arg6[%dma_wait3A_135, %dma_wait3A_136] : memref<10008x128xf32, #tpu.memory_space<vmem_shared>> -> memref<10008x128xf32, #tpu.memory_space<vmem_shared>>
          tpu.wait_indirect_dma semaphore(%run_scoped3A_117 : memref<!tpu.dma_semaphore, #tpu.memory_space<semaphore_mem>>) src(%dma_wait3A_131 : memref<128x128xf32, #tpu.memory_space<vmem>>) dst(%dma_wait3A_137 : memref<10008x128xf32, #tpu.memory_space<vmem_shared>>)
          tpu.yield
        }) : () -> ()
        %add3A_110 = arith.constant 2 : i32
        %add3A_111 = arith.addi %add3A_76, %add3A_110 : i32
        %lt3A_112 = arith.constant 79 : i32
        %lt3A_113 = arith.cmpi slt, %add3A_111, %lt3A_112 : i32
        %convert_element_type3A_114 = arith.extui %lt3A_113 : i1 to i32
        %cond3A_115 = arith.constant 0 : i32
        %cond3A_116 = arith.cmpi ne, %convert_element_type3A_114, %cond3A_115 : i32
        scf.if %cond3A_116 {
          %mul3A_117 = arith.constant 10112 : i32
          %mul3A_118 = arith.muli %arg1, %mul3A_117 : i32
          %mul3A_119 = arith.constant 128 : i32
          %mul3A_120 = arith.muli %add3A_111, %mul3A_119 : i32
          %add3A_121 = arith.addi %mul3A_118, %mul3A_120 : i32
          %dma_start3A_122 = arith.constant 0 : i32
          %dma_start3A_123 = arith.constant 0 : i32
          %dma_start3A_124 = tpu.memref_slice %arg8[%dma_start3A_122, %dma_start3A_123] : memref<2x128xi32, #tpu.memory_space<vmem>> -> memref<1x128xi32, #tpu.memory_space<vmem>>
          %dma_start3A_125 = tpu.memref_squeeze %dma_start3A_124 : memref<1x128xi32, #tpu.memory_space<vmem>> -> memref<128xi32, #tpu.memory_space<vmem>>
          %dma_start3A_126 = tpu.memref_slice %arg4[%add3A_121] : memref<161792xi32, #tpu.memory_space<hbm>> -> memref<128xi32, #tpu.memory_space<hbm>>
          %dma_start3A_127 = arith.constant 0 : i32
          %dma_start3A_128 = tpu.memref_slice %arg8[%dma_start3A_122, %dma_start3A_127] : memref<2x128xi32, #tpu.memory_space<vmem>> -> memref<1x128xi32, #tpu.memory_space<vmem>>
          %dma_start3A_129 = tpu.memref_squeeze %dma_start3A_128 : memref<1x128xi32, #tpu.memory_space<vmem>> -> memref<128xi32, #tpu.memory_space<vmem>>
          %dma_start3A_130 = tpu.memref_slice %arg4[%add3A_121] : memref<161792xi32, #tpu.memory_space<hbm>> -> memref<128xi32, #tpu.memory_space<hbm>>
          tpu.enqueue_dma source(%dma_start3A_130 : memref<128xi32, #tpu.memory_space<hbm>>) target(%dma_start3A_129 : memref<128xi32, #tpu.memory_space<vmem>>) target_semaphore(%arg10 : memref<!tpu.dma_semaphore, #tpu.memory_space<semaphore_mem>>)
          %dma_start3A_131 = arith.constant 0 : i32
          %dma_start3A_132 = arith.constant 0 : i32
          %dma_start3A_133 = arith.constant 0 : i32
          %dma_start3A_134 = tpu.memref_slice %arg9[%dma_start3A_131, %dma_start3A_132, %dma_start3A_133] : memref<2x128x128xf32, #tpu.memory_space<vmem>> -> memref<1x128x128xf32, #tpu.memory_space<vmem>>
          %dma_start3A_135 = tpu.memref_squeeze %dma_start3A_134 : memref<1x128x128xf32, #tpu.memory_space<vmem>> -> memref<128x128xf32, #tpu.memory_space<vmem>>
          %dma_start3A_136 = arith.constant 0 : i32
          %dma_start3A_137 = tpu.memref_slice %arg7[%add3A_111, %dma_start3A_136] : memref<79x128xi32, #tpu.memory_space<vmem>> -> memref<1x128xi32, #tpu.memory_space<vmem>>
          %dma_start3A_138 = tpu.memref_squeeze %dma_start3A_137 : memref<1x128xi32, #tpu.memory_space<vmem>> -> memref<128xi32, #tpu.memory_space<vmem>>
          %dma_start3A_139 = arith.constant 0 : i32
          %dma_start3A_140 = arith.constant 0 : i32
          %dma_start3A_141 = tpu.memref_slice %arg2[%dma_start3A_139, %dma_start3A_140] : memref<20000x128xf32, #tpu.memory_space<hbm>> -> memref<20000x128xf32, #tpu.memory_space<hbm>>
          tpu.enqueue_indirect_dma source(%dma_start3A_141 : memref<20000x128xf32, #tpu.memory_space<hbm>>) target(%dma_start3A_135 : memref<128x128xf32, #tpu.memory_space<vmem>>) offsets(%dma_start3A_138 : memref<128xi32, #tpu.memory_space<vmem>>) semaphore(%arg12 : memref<!tpu.dma_semaphore, #tpu.memory_space<semaphore_mem>>)
        } else {
        }
      } else {
      }
      %mul3A_79 = arith.constant 2 : i32
      %mul3A_80 = arith.muli %scan3A_72, %mul3A_79 : i32
      %add3A_81 = arith.constant 1 : i32
      %add3A_82 = arith.addi %mul3A_80, %add3A_81 : i32
      %lt3A_83 = arith.constant 79 : i32
      %lt3A_84 = arith.cmpi slt, %add3A_82, %lt3A_83 : i32
      %convert_element_type3A_85 = arith.extui %lt3A_84 : i1 to i32
      %cond3A_86 = arith.constant 0 : i32
      %cond3A_87 = arith.cmpi ne, %convert_element_type3A_85, %cond3A_86 : i32
      scf.if %cond3A_87 {
        %mul3A_88 = arith.constant 10112 : i32
        %mul3A_89 = arith.muli %arg1, %mul3A_88 : i32
        %dma_wait3A = arith.constant 1 : i32
        %dma_wait3A_90 = arith.constant 0 : i32
        %dma_wait3A_91 = tpu.memref_slice %arg8[%dma_wait3A, %dma_wait3A_90] : memref<2x128xi32, #tpu.memory_space<vmem>> -> memref<1x128xi32, #tpu.memory_space<vmem>>
        %dma_wait3A_92 = tpu.memref_squeeze %dma_wait3A_91 : memref<1x128xi32, #tpu.memory_space<vmem>> -> memref<128xi32, #tpu.memory_space<vmem>>
        %dma_wait3A_93 = tpu.memref_slice %arg4[%mul3A_89] : memref<161792xi32, #tpu.memory_space<hbm>> -> memref<128xi32, #tpu.memory_space<hbm>>
        %dma_wait3A_94 = arith.constant 0 : i32
        %dma_wait3A_95 = tpu.memref_slice %arg8[%dma_wait3A, %dma_wait3A_94] : memref<2x128xi32, #tpu.memory_space<vmem>> -> memref<1x128xi32, #tpu.memory_space<vmem>>
        %dma_wait3A_96 = tpu.memref_squeeze %dma_wait3A_95 : memref<1x128xi32, #tpu.memory_space<vmem>> -> memref<128xi32, #tpu.memory_space<vmem>>
        %dma_wait3A_97 = tpu.memref_slice %arg4[%mul3A_89] : memref<161792xi32, #tpu.memory_space<hbm>> -> memref<128xi32, #tpu.memory_space<hbm>>
        tpu.wait_dma2 semaphore(%arg11 : memref<!tpu.dma_semaphore, #tpu.memory_space<semaphore_mem>>) src(%dma_wait3A_97 : memref<128xi32, #tpu.memory_space<hbm>>) dst(%dma_wait3A_96 : memref<128xi32, #tpu.memory_space<vmem>>)
        %dma_wait3A_98 = arith.constant 1 : i32
        %dma_wait3A_99 = arith.constant 0 : i32
        %dma_wait3A_100 = arith.constant 0 : i32
        %dma_wait3A_101 = tpu.memref_slice %arg9[%dma_wait3A_98, %dma_wait3A_99, %dma_wait3A_100] : memref<2x128x128xf32, #tpu.memory_space<vmem>> -> memref<1x128x128xf32, #tpu.memory_space<vmem>>
        %dma_wait3A_102 = tpu.memref_squeeze %dma_wait3A_101 : memref<1x128x128xf32, #tpu.memory_space<vmem>> -> memref<128x128xf32, #tpu.memory_space<vmem>>
        %dma_wait3A_103 = arith.constant 0 : i32
        %dma_wait3A_104 = tpu.memref_slice %arg7[%add3A_82, %dma_wait3A_103] : memref<79x128xi32, #tpu.memory_space<vmem>> -> memref<1x128xi32, #tpu.memory_space<vmem>>
        %dma_wait3A_105 = tpu.memref_squeeze %dma_wait3A_104 : memref<1x128xi32, #tpu.memory_space<vmem>> -> memref<128xi32, #tpu.memory_space<vmem>>
        %dma_wait3A_106 = arith.constant 0 : i32
        %dma_wait3A_107 = arith.constant 0 : i32
        %dma_wait3A_108 = tpu.memref_slice %arg2[%dma_wait3A_106, %dma_wait3A_107] : memref<20000x128xf32, #tpu.memory_space<hbm>> -> memref<20000x128xf32, #tpu.memory_space<hbm>>
        tpu.wait_indirect_dma semaphore(%arg13 : memref<!tpu.dma_semaphore, #tpu.memory_space<semaphore_mem>>) src(%dma_wait3A_108 : memref<20000x128xf32, #tpu.memory_space<hbm>>) dst(%dma_wait3A_102 : memref<128x128xf32, #tpu.memory_space<vmem>>)
        %run_scoped3A = arith.constant 1 : i32
        %run_scoped3A_109 = arith.constant 1 : i32
        "tpu.region"() ({
          %run_scoped3A_117 = tpu.sem_alloc : memref<!tpu.dma_semaphore, #tpu.memory_space<semaphore_mem>>
          %dma_start3A_118 = arith.constant 0 : i32
          %dma_start3A_119 = arith.constant 0 : i32
          %dma_start3A_120 = tpu.memref_slice %arg9[%run_scoped3A, %dma_start3A_118, %dma_start3A_119] : memref<2x128x128xf32, #tpu.memory_space<vmem>> -> memref<1x128x128xf32, #tpu.memory_space<vmem>>
          %dma_start3A_121 = tpu.memref_squeeze %dma_start3A_120 : memref<1x128x128xf32, #tpu.memory_space<vmem>> -> memref<128x128xf32, #tpu.memory_space<vmem>>
          %dma_start3A_122 = arith.constant 0 : i32
          %dma_start3A_123 = tpu.memref_slice %arg8[%run_scoped3A_109, %dma_start3A_122] : memref<2x128xi32, #tpu.memory_space<vmem>> -> memref<1x128xi32, #tpu.memory_space<vmem>>
          %dma_start3A_124 = tpu.memref_squeeze %dma_start3A_123 : memref<1x128xi32, #tpu.memory_space<vmem>> -> memref<128xi32, #tpu.memory_space<vmem>>
          %dma_start3A_125 = arith.constant 0 : i32
          %dma_start3A_126 = arith.constant 0 : i32
          %dma_start3A_127 = tpu.memref_slice %arg6[%dma_start3A_125, %dma_start3A_126] : memref<10008x128xf32, #tpu.memory_space<vmem_shared>> -> memref<10008x128xf32, #tpu.memory_space<vmem_shared>>
          tpu.enqueue_indirect_dma source(%dma_start3A_121 : memref<128x128xf32, #tpu.memory_space<vmem>>) target(%dma_start3A_127 : memref<10008x128xf32, #tpu.memory_space<vmem_shared>>) offsets(%dma_start3A_124 : memref<128xi32, #tpu.memory_space<vmem>>) semaphore(%run_scoped3A_117 : memref<!tpu.dma_semaphore, #tpu.memory_space<semaphore_mem>>) {add = true}
          %dma_wait3A_128 = arith.constant 0 : i32
          %dma_wait3A_129 = arith.constant 0 : i32
          %dma_wait3A_130 = tpu.memref_slice %arg9[%run_scoped3A, %dma_wait3A_128, %dma_wait3A_129] : memref<2x128x128xf32, #tpu.memory_space<vmem>> -> memref<1x128x128xf32, #tpu.memory_space<vmem>>
          %dma_wait3A_131 = tpu.memref_squeeze %dma_wait3A_130 : memref<1x128x128xf32, #tpu.memory_space<vmem>> -> memref<128x128xf32, #tpu.memory_space<vmem>>
          %dma_wait3A_132 = arith.constant 0 : i32
          %dma_wait3A_133 = tpu.memref_slice %arg8[%run_scoped3A_109, %dma_wait3A_132] : memref<2x128xi32, #tpu.memory_space<vmem>> -> memref<1x128xi32, #tpu.memory_space<vmem>>
          %dma_wait3A_134 = tpu.memref_squeeze %dma_wait3A_133 : memref<1x128xi32, #tpu.memory_space<vmem>> -> memref<128xi32, #tpu.memory_space<vmem>>
          %dma_wait3A_135 = arith.constant 0 : i32
          %dma_wait3A_136 = arith.constant 0 : i32
          %dma_wait3A_137 = tpu.memref_slice %arg6[%dma_wait3A_135, %dma_wait3A_136] : memref<10008x128xf32, #tpu.memory_space<vmem_shared>> -> memref<10008x128xf32, #tpu.memory_space<vmem_shared>>
          tpu.wait_indirect_dma semaphore(%run_scoped3A_117 : memref<!tpu.dma_semaphore, #tpu.memory_space<semaphore_mem>>) src(%dma_wait3A_131 : memref<128x128xf32, #tpu.memory_space<vmem>>) dst(%dma_wait3A_137 : memref<10008x128xf32, #tpu.memory_space<vmem_shared>>)
          tpu.yield
        }) : () -> ()
        %add3A_110 = arith.constant 2 : i32
        %add3A_111 = arith.addi %add3A_82, %add3A_110 : i32
        %lt3A_112 = arith.constant 79 : i32
        %lt3A_113 = arith.cmpi slt, %add3A_111, %lt3A_112 : i32
        %convert_element_type3A_114 = arith.extui %lt3A_113 : i1 to i32
        %cond3A_115 = arith.constant 0 : i32
        %cond3A_116 = arith.cmpi ne, %convert_element_type3A_114, %cond3A_115 : i32
        scf.if %cond3A_116 {
          %mul3A_117 = arith.constant 10112 : i32
          %mul3A_118 = arith.muli %arg1, %mul3A_117 : i32
          %mul3A_119 = arith.constant 128 : i32
          %mul3A_120 = arith.muli %add3A_111, %mul3A_119 : i32
          %add3A_121 = arith.addi %mul3A_118, %mul3A_120 : i32
          %dma_start3A_122 = arith.constant 1 : i32
          %dma_start3A_123 = arith.constant 0 : i32
          %dma_start3A_124 = tpu.memref_slice %arg8[%dma_start3A_122, %dma_start3A_123] : memref<2x128xi32, #tpu.memory_space<vmem>> -> memref<1x128xi32, #tpu.memory_space<vmem>>
          %dma_start3A_125 = tpu.memref_squeeze %dma_start3A_124 : memref<1x128xi32, #tpu.memory_space<vmem>> -> memref<128xi32, #tpu.memory_space<vmem>>
          %dma_start3A_126 = tpu.memref_slice %arg4[%add3A_121] : memref<161792xi32, #tpu.memory_space<hbm>> -> memref<128xi32, #tpu.memory_space<hbm>>
          %dma_start3A_127 = arith.constant 0 : i32
          %dma_start3A_128 = tpu.memref_slice %arg8[%dma_start3A_122, %dma_start3A_127] : memref<2x128xi32, #tpu.memory_space<vmem>> -> memref<1x128xi32, #tpu.memory_space<vmem>>
          %dma_start3A_129 = tpu.memref_squeeze %dma_start3A_128 : memref<1x128xi32, #tpu.memory_space<vmem>> -> memref<128xi32, #tpu.memory_space<vmem>>
          %dma_start3A_130 = tpu.memref_slice %arg4[%add3A_121] : memref<161792xi32, #tpu.memory_space<hbm>> -> memref<128xi32, #tpu.memory_space<hbm>>
          tpu.enqueue_dma source(%dma_start3A_130 : memref<128xi32, #tpu.memory_space<hbm>>) target(%dma_start3A_129 : memref<128xi32, #tpu.memory_space<vmem>>) target_semaphore(%arg11 : memref<!tpu.dma_semaphore, #tpu.memory_space<semaphore_mem>>)
          %dma_start3A_131 = arith.constant 1 : i32
          %dma_start3A_132 = arith.constant 0 : i32
          %dma_start3A_133 = arith.constant 0 : i32
          %dma_start3A_134 = tpu.memref_slice %arg9[%dma_start3A_131, %dma_start3A_132, %dma_start3A_133] : memref<2x128x128xf32, #tpu.memory_space<vmem>> -> memref<1x128x128xf32, #tpu.memory_space<vmem>>
          %dma_start3A_135 = tpu.memref_squeeze %dma_start3A_134 : memref<1x128x128xf32, #tpu.memory_space<vmem>> -> memref<128x128xf32, #tpu.memory_space<vmem>>
          %dma_start3A_136 = arith.constant 0 : i32
          %dma_start3A_137 = tpu.memref_slice %arg7[%add3A_111, %dma_start3A_136] : memref<79x128xi32, #tpu.memory_space<vmem>> -> memref<1x128xi32, #tpu.memory_space<vmem>>
          %dma_start3A_138 = tpu.memref_squeeze %dma_start3A_137 : memref<1x128xi32, #tpu.memory_space<vmem>> -> memref<128xi32, #tpu.memory_space<vmem>>
          %dma_start3A_139 = arith.constant 0 : i32
          %dma_start3A_140 = arith.constant 0 : i32
          %dma_start3A_141 = tpu.memref_slice %arg2[%dma_start3A_139, %dma_start3A_140] : memref<20000x128xf32, #tpu.memory_space<hbm>> -> memref<20000x128xf32, #tpu.memory_space<hbm>>
          tpu.enqueue_indirect_dma source(%dma_start3A_141 : memref<20000x128xf32, #tpu.memory_space<hbm>>) target(%dma_start3A_135 : memref<128x128xf32, #tpu.memory_space<vmem>>) offsets(%dma_start3A_138 : memref<128xi32, #tpu.memory_space<vmem>>) semaphore(%arg13 : memref<!tpu.dma_semaphore, #tpu.memory_space<semaphore_mem>>)
        } else {
        }
      } else {
      }
    }
    %scan3A_64 = arith.constant 40 : i32
    %barrier3A_65 = arith.constant 0 : index
    tpu.barrier barrier_id(%barrier3A_65)
    %scan3A_66 = arith.constant 0 : i32
    %scan3A_67 = arith.constant 0 : i32
    %scan3A_68 = arith.constant 8 : i32
    %scan3A_69 = arith.addi %scan3A_67, %scan3A_68 : i32
    %scan3A_70 = arith.constant 1 : i32
    scf.for %scan3A_72 = %scan3A_67 to %scan3A_69 step %scan3A_70  : i32 {
      %mul3A_73 = arith.constant 16 : i32
      %mul3A_74 = arith.muli %scan3A_72, %mul3A_73 : i32
      %add3A_75 = arith.addi %mul3A_74, %arg1 : i32
      %lt3A = arith.constant 125 : i32
      %lt3A_76 = arith.cmpi slt, %add3A_75, %lt3A : i32
      %convert_element_type3A = arith.extui %lt3A_76 : i1 to i32
      %cond3A = arith.constant 0 : i32
      %cond3A_77 = arith.cmpi ne, %convert_element_type3A, %cond3A : i32
      scf.if %cond3A_77 {
        %mul3A_78 = arith.constant 80 : i32
        %mul3A_79 = arith.muli %add3A_75, %mul3A_78 : i32
        %mul3A_80 = arith.constant 10000 : i32
        %mul3A_81 = arith.muli %arg0, %mul3A_80 : i32
        %add3A_82 = arith.addi %mul3A_81, %mul3A_79 : i32
        "tpu.region"() ({
          %run_scoped3A = tpu.sem_alloc : memref<!tpu.dma_semaphore, #tpu.memory_space<semaphore_mem>>
          %dma_start3A_83 = arith.constant 0 : i32
          %dma_start3A_84 = tpu.memref_slice %arg5[%add3A_82, %dma_start3A_83] : memref<20000x128xf32, #tpu.memory_space<hbm>> -> memref<80x128xf32, #tpu.memory_space<hbm>>
          %dma_start3A_85 = arith.constant 0 : i32
          %dma_start3A_86 = tpu.memref_slice %arg6[%mul3A_79, %dma_start3A_85] : memref<10008x128xf32, #tpu.memory_space<vmem_shared>> -> memref<80x128xf32, #tpu.memory_space<vmem_shared>>
          tpu.enqueue_dma source(%dma_start3A_86 : memref<80x128xf32, #tpu.memory_space<vmem_shared>>) target(%dma_start3A_84 : memref<80x128xf32, #tpu.memory_space<hbm>>) target_semaphore(%run_scoped3A : memref<!tpu.dma_semaphore, #tpu.memory_space<semaphore_mem>>)
          %dma_wait3A = arith.constant 0 : i32
          %dma_wait3A_87 = tpu.memref_slice %arg5[%add3A_82, %dma_wait3A] : memref<20000x128xf32, #tpu.memory_space<hbm>> -> memref<80x128xf32, #tpu.memory_space<hbm>>
          %dma_wait3A_88 = arith.constant 0 : i32
          %dma_wait3A_89 = tpu.memref_slice %arg6[%mul3A_79, %dma_wait3A_88] : memref<10008x128xf32, #tpu.memory_space<vmem_shared>> -> memref<80x128xf32, #tpu.memory_space<vmem_shared>>
          tpu.wait_dma2 semaphore(%run_scoped3A : memref<!tpu.dma_semaphore, #tpu.memory_space<semaphore_mem>>) src(%dma_wait3A_89 : memref<80x128xf32, #tpu.memory_space<vmem_shared>>) dst(%dma_wait3A_87 : memref<80x128xf32, #tpu.memory_space<hbm>>)
          tpu.yield
        }) : () -> ()
      } else {
      }
    }
    %scan3A_71 = arith.constant 8 : i32
    return
  }
}

#map = affine_map<(d0, d1) -> (0, 0)>
#map1 = affine_map<(d0, d1) -> (0, 0, 0, 0)>
#map2 = affine_map<(d0, d1) -> (0)>
module attributes {stable_mosaic.version = 14 : i64} {
  func.func @_agg_body(%arg0: i32, %arg1: i32, %arg2: memref<20000x128xf32, #tpu.memory_space<hbm>>, %arg3: memref<2x16x79x128xi32, #tpu.memory_space<hbm>>, %arg4: memref<161792xi32, #tpu.memory_space<hbm>>, %arg5: memref<20000x128xf32, #tpu.memory_space<hbm>>, %arg6: memref<10008x128xf32, #tpu.memory_space<vmem_shared>>, %arg7: memref<79x128xi32, #tpu.memory_space<vmem>>, %arg8: memref<2x128xi32, #tpu.memory_space<vmem>>, %arg9: memref<2x128x128xf32, #tpu.memory_space<vmem>>, %arg10: memref<!tpu.dma_semaphore, #tpu.memory_space<semaphore_mem>>, %arg11: memref<!tpu.dma_semaphore, #tpu.memory_space<semaphore_mem>>, %arg12: memref<!tpu.dma_semaphore, #tpu.memory_space<semaphore_mem>>, %arg13: memref<!tpu.dma_semaphore, #tpu.memory_space<semaphore_mem>>) attributes {dimension_semantics = [#tpu.dimension_semantics<core_parallel>, #tpu.dimension_semantics<subcore_parallel>], iteration_bounds = array<i64: 2, 16>, scalar_prefetch = 0 : i64, scratch_operands = 8 : i64, tpu.core_type = #tpu.core_type<sc_vector_subcore>, window_params = [{transform_indices = #map}, {transform_indices = #map1}, {transform_indices = #map2}, {transform_indices = #map}]} {
    "tpu.region"() ({
      %run_scoped3A = tpu.sem_alloc : memref<!tpu.dma_semaphore, #tpu.memory_space<semaphore_mem>>
      %dma_start3A_72 = arith.constant 0 : i32
      %dma_start3A_73 = arith.constant 0 : i32
      %dma_start3A_74 = tpu.memref_slice %arg3[%arg0, %arg1, %dma_start3A_72, %dma_start3A_73] : memref<2x16x79x128xi32, #tpu.memory_space<hbm>> -> memref<1x1x79x128xi32, #tpu.memory_space<hbm>>
      %dma_start3A_75 = tpu.memref_squeeze %dma_start3A_74 : memref<1x1x79x128xi32, #tpu.memory_space<hbm>> -> memref<79x128xi32, #tpu.memory_space<hbm>>
      %dma_start3A_76 = arith.constant 0 : i32
      %dma_start3A_77 = arith.constant 0 : i32
      %dma_start3A_78 = tpu.memref_slice %arg3[%arg0, %arg1, %dma_start3A_76, %dma_start3A_77] : memref<2x16x79x128xi32, #tpu.memory_space<hbm>> -> memref<1x1x79x128xi32, #tpu.memory_space<hbm>>
      %dma_start3A_79 = tpu.memref_squeeze %dma_start3A_78 : memref<1x1x79x128xi32, #tpu.memory_space<hbm>> -> memref<79x128xi32, #tpu.memory_space<hbm>>
      tpu.enqueue_dma source(%dma_start3A_79 : memref<79x128xi32, #tpu.memory_space<hbm>>) target(%arg7 : memref<79x128xi32, #tpu.memory_space<vmem>>) target_semaphore(%run_scoped3A : memref<!tpu.dma_semaphore, #tpu.memory_space<semaphore_mem>>)
      %dma_wait3A = arith.constant 0 : i32
      %dma_wait3A_80 = arith.constant 0 : i32
      %dma_wait3A_81 = tpu.memref_slice %arg3[%arg0, %arg1, %dma_wait3A, %dma_wait3A_80] : memref<2x16x79x128xi32, #tpu.memory_space<hbm>> -> memref<1x1x79x128xi32, #tpu.memory_space<hbm>>
      %dma_wait3A_82 = tpu.memref_squeeze %dma_wait3A_81 : memref<1x1x79x128xi32, #tpu.memory_space<hbm>> -> memref<79x128xi32, #tpu.memory_space<hbm>>
      %dma_wait3A_83 = arith.constant 0 : i32
      %dma_wait3A_84 = arith.constant 0 : i32
      %dma_wait3A_85 = tpu.memref_slice %arg3[%arg0, %arg1, %dma_wait3A_83, %dma_wait3A_84] : memref<2x16x79x128xi32, #tpu.memory_space<hbm>> -> memref<1x1x79x128xi32, #tpu.memory_space<hbm>>
      %dma_wait3A_86 = tpu.memref_squeeze %dma_wait3A_85 : memref<1x1x79x128xi32, #tpu.memory_space<hbm>> -> memref<79x128xi32, #tpu.memory_space<hbm>>
      tpu.wait_dma2 semaphore(%run_scoped3A : memref<!tpu.dma_semaphore, #tpu.memory_space<semaphore_mem>>) src(%dma_wait3A_86 : memref<79x128xi32, #tpu.memory_space<hbm>>) dst(%arg7 : memref<79x128xi32, #tpu.memory_space<vmem>>)
      tpu.yield
    }) : () -> ()
    %mul3A = arith.constant 10112 : i32
    %mul3A_0 = arith.muli %arg1, %mul3A : i32
    %add3A = arith.constant 0 : i32
    %add3A_1 = arith.addi %mul3A_0, %add3A : i32
    %dma_start3A = arith.constant 0 : i32
    %dma_start3A_2 = arith.constant 0 : i32
    %dma_start3A_3 = tpu.memref_slice %arg8[%dma_start3A, %dma_start3A_2] : memref<2x128xi32, #tpu.memory_space<vmem>> -> memref<1x128xi32, #tpu.memory_space<vmem>>
    %dma_start3A_4 = tpu.memref_squeeze %dma_start3A_3 : memref<1x128xi32, #tpu.memory_space<vmem>> -> memref<128xi32, #tpu.memory_space<vmem>>
    %dma_start3A_5 = tpu.memref_slice %arg4[%add3A_1] : memref<161792xi32, #tpu.memory_space<hbm>> -> memref<128xi32, #tpu.memory_space<hbm>>
    %dma_start3A_6 = arith.constant 0 : i32
    %dma_start3A_7 = tpu.memref_slice %arg8[%dma_start3A, %dma_start3A_6] : memref<2x128xi32, #tpu.memory_space<vmem>> -> memref<1x128xi32, #tpu.memory_space<vmem>>
    %dma_start3A_8 = tpu.memref_squeeze %dma_start3A_7 : memref<1x128xi32, #tpu.memory_space<vmem>> -> memref<128xi32, #tpu.memory_space<vmem>>
    %dma_start3A_9 = tpu.memref_slice %arg4[%add3A_1] : memref<161792xi32, #tpu.memory_space<hbm>> -> memref<128xi32, #tpu.memory_space<hbm>>
    tpu.enqueue_dma source(%dma_start3A_9 : memref<128xi32, #tpu.memory_space<hbm>>) target(%dma_start3A_8 : memref<128xi32, #tpu.memory_space<vmem>>) target_semaphore(%arg10 : memref<!tpu.dma_semaphore, #tpu.memory_space<semaphore_mem>>)
    %dma_start3A_10 = arith.constant 0 : i32
    %dma_start3A_11 = arith.constant 0 : i32
    %dma_start3A_12 = arith.constant 0 : i32
    %dma_start3A_13 = arith.constant 0 : i32
    %dma_start3A_14 = tpu.memref_slice %arg9[%dma_start3A_11, %dma_start3A_12, %dma_start3A_13] : memref<2x128x128xf32, #tpu.memory_space<vmem>> -> memref<1x128x128xf32, #tpu.memory_space<vmem>>
    %dma_start3A_15 = tpu.memref_squeeze %dma_start3A_14 : memref<1x128x128xf32, #tpu.memory_space<vmem>> -> memref<128x128xf32, #tpu.memory_space<vmem>>
    %dma_start3A_16 = arith.constant 0 : i32
    %dma_start3A_17 = tpu.memref_slice %arg7[%dma_start3A_10, %dma_start3A_16] : memref<79x128xi32, #tpu.memory_space<vmem>> -> memref<1x128xi32, #tpu.memory_space<vmem>>
    %dma_start3A_18 = tpu.memref_squeeze %dma_start3A_17 : memref<1x128xi32, #tpu.memory_space<vmem>> -> memref<128xi32, #tpu.memory_space<vmem>>
    %dma_start3A_19 = arith.constant 0 : i32
    %dma_start3A_20 = arith.constant 0 : i32
    %dma_start3A_21 = tpu.memref_slice %arg2[%dma_start3A_19, %dma_start3A_20] : memref<20000x128xf32, #tpu.memory_space<hbm>> -> memref<20000x128xf32, #tpu.memory_space<hbm>>
    tpu.enqueue_indirect_dma source(%dma_start3A_21 : memref<20000x128xf32, #tpu.memory_space<hbm>>) target(%dma_start3A_15 : memref<128x128xf32, #tpu.memory_space<vmem>>) offsets(%dma_start3A_18 : memref<128xi32, #tpu.memory_space<vmem>>) semaphore(%arg12 : memref<!tpu.dma_semaphore, #tpu.memory_space<semaphore_mem>>)
    %broadcast_in_dim3A = arith.constant 0.000000e+00 : f32
    %broadcast_in_dim3A_22 = vector.broadcast %broadcast_in_dim3A : f32 to vector<16xf32>
    %scan3A = arith.constant 0 : i32
    %scan3A_23 = arith.constant 0 : i32
    %scan3A_24 = arith.constant 80 : i32
    %scan3A_25 = arith.addi %scan3A_23, %scan3A_24 : i32
    %scan3A_26 = arith.constant 1 : i32
    scf.for %scan3A_72 = %scan3A_23 to %scan3A_25 step %scan3A_26  : i32 {
      %swap3A = arith.constant 1 : i32
      %swap3A_73 = arith.index_cast %swap3A : i32 to index
      %swap3A_74 = arith.index_cast %scan3A_72 : i32 to index
      %swap3A_75 = arith.constant 0 : index
      %swap3A_76 = tpu.vector_load %arg9[%swap3A_73, %swap3A_74, %swap3A_75] {strides = array<i32>} : memref<2x128x128xf32, #tpu.memory_space<vmem>>, vector<16xf32>,
      tpu.vector_store %arg9[%swap3A_73, %swap3A_74, %swap3A_75], %broadcast_in_dim3A_22 {strides = array<i32>} : memref<2x128x128xf32, #tpu.memory_space<vmem>>, vector<16xf32>,
      %swap3A_77 = arith.constant 1 : i32
      %swap3A_78 = arith.index_cast %swap3A_77 : i32 to index
      %swap3A_79 = arith.index_cast %scan3A_72 : i32 to index
      %swap3A_80 = arith.constant 16 : index
      %swap3A_81 = tpu.vector_load %arg9[%swap3A_78, %swap3A_79, %swap3A_80] {strides = array<i32>} : memref<2x128x128xf32, #tpu.memory_space<vmem>>, vector<16xf32>,
      tpu.vector_store %arg9[%swap3A_78, %swap3A_79, %swap3A_80], %broadcast_in_dim3A_22 {strides = array<i32>} : memref<2x128x128xf32, #tpu.memory_space<vmem>>, vector<16xf32>,
      %swap3A_82 = arith.constant 1 : i32
      %swap3A_83 = arith.index_cast %swap3A_82 : i32 to index
      %swap3A_84 = arith.index_cast %scan3A_72 : i32 to index
      %swap3A_85 = arith.constant 32 : index
      %swap3A_86 = tpu.vector_load %arg9[%swap3A_83, %swap3A_84, %swap3A_85] {strides = array<i32>} : memref<2x128x128xf32, #tpu.memory_space<vmem>>, vector<16xf32>,
      tpu.vector_store %arg9[%swap3A_83, %swap3A_84, %swap3A_85], %broadcast_in_dim3A_22 {strides = array<i32>} : memref<2x128x128xf32, #tpu.memory_space<vmem>>, vector<16xf32>,
      %swap3A_87 = arith.constant 1 : i32
      %swap3A_88 = arith.index_cast %swap3A_87 : i32 to index
      %swap3A_89 = arith.index_cast %scan3A_72 : i32 to index
      %swap3A_90 = arith.constant 48 : index
      %swap3A_91 = tpu.vector_load %arg9[%swap3A_88, %swap3A_89, %swap3A_90] {strides = array<i32>} : memref<2x128x128xf32, #tpu.memory_space<vmem>>, vector<16xf32>,
      tpu.vector_store %arg9[%swap3A_88, %swap3A_89, %swap3A_90], %broadcast_in_dim3A_22 {strides = array<i32>} : memref<2x128x128xf32, #tpu.memory_space<vmem>>, vector<16xf32>,
      %swap3A_92 = arith.constant 1 : i32
      %swap3A_93 = arith.index_cast %swap3A_92 : i32 to index
      %swap3A_94 = arith.index_cast %scan3A_72 : i32 to index
      %swap3A_95 = arith.constant 64 : index
      %swap3A_96 = tpu.vector_load %arg9[%swap3A_93, %swap3A_94, %swap3A_95] {strides = array<i32>} : memref<2x128x128xf32, #tpu.memory_space<vmem>>, vector<16xf32>,
      tpu.vector_store %arg9[%swap3A_93, %swap3A_94, %swap3A_95], %broadcast_in_dim3A_22 {strides = array<i32>} : memref<2x128x128xf32, #tpu.memory_space<vmem>>, vector<16xf32>,
      %swap3A_97 = arith.constant 1 : i32
      %swap3A_98 = arith.index_cast %swap3A_97 : i32 to index
      %swap3A_99 = arith.index_cast %scan3A_72 : i32 to index
      %swap3A_100 = arith.constant 80 : index
      %swap3A_101 = tpu.vector_load %arg9[%swap3A_98, %swap3A_99, %swap3A_100] {strides = array<i32>} : memref<2x128x128xf32, #tpu.memory_space<vmem>>, vector<16xf32>,
      tpu.vector_store %arg9[%swap3A_98, %swap3A_99, %swap3A_100], %broadcast_in_dim3A_22 {strides = array<i32>} : memref<2x128x128xf32, #tpu.memory_space<vmem>>, vector<16xf32>,
      %swap3A_102 = arith.constant 1 : i32
      %swap3A_103 = arith.index_cast %swap3A_102 : i32 to index
      %swap3A_104 = arith.index_cast %scan3A_72 : i32 to index
      %swap3A_105 = arith.constant 96 : index
      %swap3A_106 = tpu.vector_load %arg9[%swap3A_103, %swap3A_104, %swap3A_105] {strides = array<i32>} : memref<2x128x128xf32, #tpu.memory_space<vmem>>, vector<16xf32>,
      tpu.vector_store %arg9[%swap3A_103, %swap3A_104, %swap3A_105], %broadcast_in_dim3A_22 {strides = array<i32>} : memref<2x128x128xf32, #tpu.memory_space<vmem>>, vector<16xf32>,
      %swap3A_107 = arith.constant 1 : i32
      %swap3A_108 = arith.index_cast %swap3A_107 : i32 to index
      %swap3A_109 = arith.index_cast %scan3A_72 : i32 to index
      %swap3A_110 = arith.constant 112 : index
      %swap3A_111 = tpu.vector_load %arg9[%swap3A_108, %swap3A_109, %swap3A_110] {strides = array<i32>} : memref<2x128x128xf32, #tpu.memory_space<vmem>>, vector<16xf32>,
      tpu.vector_store %arg9[%swap3A_108, %swap3A_109, %swap3A_110], %broadcast_in_dim3A_22 {strides = array<i32>} : memref<2x128x128xf32, #tpu.memory_space<vmem>>, vector<16xf32>,
    }
    %scan3A_27 = arith.constant 80 : i32
    %scan3A_28 = arith.constant 0 : i32
    %scan3A_29 = arith.constant 0 : i32
    %scan3A_30 = arith.constant 8 : i32
    %scan3A_31 = arith.addi %scan3A_29, %scan3A_30 : i32
    %scan3A_32 = arith.constant 1 : i32
    scf.for %scan3A_72 = %scan3A_29 to %scan3A_31 step %scan3A_32  : i32 {
      %mul3A_73 = arith.constant 16 : i32
      %mul3A_74 = arith.muli %scan3A_72, %mul3A_73 : i32
      %add3A_75 = arith.addi %mul3A_74, %arg1 : i32
      %lt3A = arith.constant 125 : i32
      %lt3A_76 = arith.cmpi slt, %add3A_75, %lt3A : i32
      %convert_element_type3A = arith.extui %lt3A_76 : i1 to i32
      %cond3A = arith.constant 0 : i32
      %cond3A_77 = arith.cmpi ne, %convert_element_type3A, %cond3A : i32
      scf.if %cond3A_77 {
        %mul3A_78 = arith.constant 80 : i32
        %mul3A_79 = arith.muli %add3A_75, %mul3A_78 : i32
        %run_scoped3A = arith.constant 1 : i32
        "tpu.region"() ({
          %run_scoped3A_80 = tpu.sem_alloc : memref<!tpu.dma_semaphore, #tpu.memory_space<semaphore_mem>>
          %dma_start3A_81 = arith.constant 0 : i32
          %dma_start3A_82 = arith.constant 0 : i32
          %dma_start3A_83 = tpu.memref_slice %arg9[%run_scoped3A, %dma_start3A_81, %dma_start3A_82] : memref<2x128x128xf32, #tpu.memory_space<vmem>> -> memref<1x128x128xf32, #tpu.memory_space<vmem>>
          %dma_start3A_84 = tpu.memref_squeeze %dma_start3A_83 : memref<1x128x128xf32, #tpu.memory_space<vmem>> -> memref<128x128xf32, #tpu.memory_space<vmem>>
          %dma_start3A_85 = arith.constant 0 : i32
          %dma_start3A_86 = arith.constant 0 : i32
          %dma_start3A_87 = tpu.memref_slice %dma_start3A_84[%dma_start3A_85, %dma_start3A_86] : memref<128x128xf32, #tpu.memory_space<vmem>> -> memref<80x128xf32, #tpu.memory_space<vmem>>
          %dma_start3A_88 = arith.constant 0 : i32
          %dma_start3A_89 = tpu.memref_slice %arg6[%mul3A_79, %dma_start3A_88] : memref<10008x128xf32, #tpu.memory_space<vmem_shared>> -> memref<80x128xf32, #tpu.memory_space<vmem_shared>>
          %dma_start3A_90 = arith.constant 0 : i32
          %dma_start3A_91 = tpu.memref_slice %arg6[%mul3A_79, %dma_start3A_90] : memref<10008x128xf32, #tpu.memory_space<vmem_shared>> -> memref<80x128xf32, #tpu.memory_space<vmem_shared>>
          %dma_start3A_92 = arith.constant 0 : i32
          %dma_start3A_93 = arith.constant 0 : i32
          %dma_start3A_94 = tpu.memref_slice %arg9[%run_scoped3A, %dma_start3A_92, %dma_start3A_93] : memref<2x128x128xf32, #tpu.memory_space<vmem>> -> memref<1x128x128xf32, #tpu.memory_space<vmem>>
          %dma_start3A_95 = tpu.memref_squeeze %dma_start3A_94 : memref<1x128x128xf32, #tpu.memory_space<vmem>> -> memref<128x128xf32, #tpu.memory_space<vmem>>
          %dma_start3A_96 = arith.constant 0 : i32
          %dma_start3A_97 = arith.constant 0 : i32
          %dma_start3A_98 = tpu.memref_slice %dma_start3A_95[%dma_start3A_96, %dma_start3A_97] : memref<128x128xf32, #tpu.memory_space<vmem>> -> memref<80x128xf32, #tpu.memory_space<vmem>>
          tpu.enqueue_dma source(%dma_start3A_98 : memref<80x128xf32, #tpu.memory_space<vmem>>) target(%dma_start3A_91 : memref<80x128xf32, #tpu.memory_space<vmem_shared>>) target_semaphore(%run_scoped3A_80 : memref<!tpu.dma_semaphore, #tpu.memory_space<semaphore_mem>>)
          %dma_wait3A = arith.constant 0 : i32
          %dma_wait3A_99 = arith.constant 0 : i32
          %dma_wait3A_100 = tpu.memref_slice %arg9[%run_scoped3A, %dma_wait3A, %dma_wait3A_99] : memref<2x128x128xf32, #tpu.memory_space<vmem>> -> memref<1x128x128xf32, #tpu.memory_space<vmem>>
          %dma_wait3A_101 = tpu.memref_squeeze %dma_wait3A_100 : memref<1x128x128xf32, #tpu.memory_space<vmem>> -> memref<128x128xf32, #tpu.memory_space<vmem>>
          %dma_wait3A_102 = arith.constant 0 : i32
          %dma_wait3A_103 = arith.constant 0 : i32
          %dma_wait3A_104 = tpu.memref_slice %dma_wait3A_101[%dma_wait3A_102, %dma_wait3A_103] : memref<128x128xf32, #tpu.memory_space<vmem>> -> memref<80x128xf32, #tpu.memory_space<vmem>>
          %dma_wait3A_105 = arith.constant 0 : i32
          %dma_wait3A_106 = tpu.memref_slice %arg6[%mul3A_79, %dma_wait3A_105] : memref<10008x128xf32, #tpu.memory_space<vmem_shared>> -> memref<80x128xf32, #tpu.memory_space<vmem_shared>>
          %dma_wait3A_107 = arith.constant 0 : i32
          %dma_wait3A_108 = tpu.memref_slice %arg6[%mul3A_79, %dma_wait3A_107] : memref<10008x128xf32, #tpu.memory_space<vmem_shared>> -> memref<80x128xf32, #tpu.memory_space<vmem_shared>>
          %dma_wait3A_109 = arith.constant 0 : i32
          %dma_wait3A_110 = arith.constant 0 : i32
          %dma_wait3A_111 = tpu.memref_slice %arg9[%run_scoped3A, %dma_wait3A_109, %dma_wait3A_110] : memref<2x128x128xf32, #tpu.memory_space<vmem>> -> memref<1x128x128xf32, #tpu.memory_space<vmem>>
          %dma_wait3A_112 = tpu.memref_squeeze %dma_wait3A_111 : memref<1x128x128xf32, #tpu.memory_space<vmem>> -> memref<128x128xf32, #tpu.memory_space<vmem>>
          %dma_wait3A_113 = arith.constant 0 : i32
          %dma_wait3A_114 = arith.constant 0 : i32
          %dma_wait3A_115 = tpu.memref_slice %dma_wait3A_112[%dma_wait3A_113, %dma_wait3A_114] : memref<128x128xf32, #tpu.memory_space<vmem>> -> memref<80x128xf32, #tpu.memory_space<vmem>>
          tpu.wait_dma2 semaphore(%run_scoped3A_80 : memref<!tpu.dma_semaphore, #tpu.memory_space<semaphore_mem>>) src(%dma_wait3A_115 : memref<80x128xf32, #tpu.memory_space<vmem>>) dst(%dma_wait3A_108 : memref<80x128xf32, #tpu.memory_space<vmem_shared>>)
          tpu.yield
        }) : () -> ()
      } else {
      }
    }
    %scan3A_33 = arith.constant 8 : i32
    %barrier3A = arith.constant 0 : index
    tpu.barrier barrier_id(%barrier3A)
    %mul3A_34 = arith.constant 10112 : i32
    %mul3A_35 = arith.muli %arg1, %mul3A_34 : i32
    %add3A_36 = arith.constant 128 : i32
    %add3A_37 = arith.addi %mul3A_35, %add3A_36 : i32
    %dma_start3A_38 = arith.constant 1 : i32
    %dma_start3A_39 = arith.constant 0 : i32
    %dma_start3A_40 = tpu.memref_slice %arg8[%dma_start3A_38, %dma_start3A_39] : memref<2x128xi32, #tpu.memory_space<vmem>> -> memref<1x128xi32, #tpu.memory_space<vmem>>
    %dma_start3A_41 = tpu.memref_squeeze %dma_start3A_40 : memref<1x128xi32, #tpu.memory_space<vmem>> -> memref<128xi32, #tpu.memory_space<vmem>>
    %dma_start3A_42 = tpu.memref_slice %arg4[%add3A_37] : memref<161792xi32, #tpu.memory_space<hbm>> -> memref<128xi32, #tpu.memory_space<hbm>>
    %dma_start3A_43 = arith.constant 0 : i32
    %dma_start3A_44 = tpu.memref_slice %arg8[%dma_start3A_38, %dma_start3A_43] : memref<2x128xi32, #tpu.memory_space<vmem>> -> memref<1x128xi32, #tpu.memory_space<vmem>>
    %dma_start3A_45 = tpu.memref_squeeze %dma_start3A_44 : memref<1x128xi32, #tpu.memory_space<vmem>> -> memref<128xi32, #tpu.memory_space<vmem>>
    %dma_start3A_46 = tpu.memref_slice %arg4[%add3A_37] : memref<161792xi32, #tpu.memory_space<hbm>> -> memref<128xi32, #tpu.memory_space<hbm>>
    tpu.enqueue_dma source(%dma_start3A_46 : memref<128xi32, #tpu.memory_space<hbm>>) target(%dma_start3A_45 : memref<128xi32, #tpu.memory_space<vmem>>) target_semaphore(%arg11 : memref<!tpu.dma_semaphore, #tpu.memory_space<semaphore_mem>>)
    %dma_start3A_47 = arith.constant 1 : i32
    %dma_start3A_48 = arith.constant 1 : i32
    %dma_start3A_49 = arith.constant 0 : i32
    %dma_start3A_50 = arith.constant 0 : i32
    %dma_start3A_51 = tpu.memref_slice %arg9[%dma_start3A_48, %dma_start3A_49, %dma_start3A_50] : memref<2x128x128xf32, #tpu.memory_space<vmem>> -> memref<1x128x128xf32, #tpu.memory_space<vmem>>
    %dma_start3A_52 = tpu.memref_squeeze %dma_start3A_51 : memref<1x128x128xf32, #tpu.memory_space<vmem>> -> memref<128x128xf32, #tpu.memory_space<vmem>>
    %dma_start3A_53 = arith.constant 0 : i32
    %dma_start3A_54 = tpu.memref_slice %arg7[%dma_start3A_47, %dma_start3A_53] : memref<79x128xi32, #tpu.memory_space<vmem>> -> memref<1x128xi32, #tpu.memory_space<vmem>>
    %dma_start3A_55 = tpu.memref_squeeze %dma_start3A_54 : memref<1x128xi32, #tpu.memory_space<vmem>> -> memref<128xi32, #tpu.memory_space<vmem>>
    %dma_start3A_56 = arith.constant 0 : i32
    %dma_start3A_57 = arith.constant 0 : i32
    %dma_start3A_58 = tpu.memref_slice %arg2[%dma_start3A_56, %dma_start3A_57] : memref<20000x128xf32, #tpu.memory_space<hbm>> -> memref<20000x128xf32, #tpu.memory_space<hbm>>
    tpu.enqueue_indirect_dma source(%dma_start3A_58 : memref<20000x128xf32, #tpu.memory_space<hbm>>) target(%dma_start3A_52 : memref<128x128xf32, #tpu.memory_space<vmem>>) offsets(%dma_start3A_55 : memref<128xi32, #tpu.memory_space<vmem>>) semaphore(%arg13 : memref<!tpu.dma_semaphore, #tpu.memory_space<semaphore_mem>>)
    %scan3A_59 = arith.constant 0 : i32
    %scan3A_60 = arith.constant 0 : i32
    %scan3A_61 = arith.constant 40 : i32
    %scan3A_62 = arith.addi %scan3A_60, %scan3A_61 : i32
    %scan3A_63 = arith.constant 1 : i32
    scf.for %scan3A_72 = %scan3A_60 to %scan3A_62 step %scan3A_63  : i32 {
      %mul3A_73 = arith.constant 2 : i32
      %mul3A_74 = arith.muli %scan3A_72, %mul3A_73 : i32
      %add3A_75 = arith.constant 0 : i32
      %add3A_76 = arith.addi %mul3A_74, %add3A_75 : i32
      %lt3A = arith.constant 79 : i32
      %lt3A_77 = arith.cmpi slt, %add3A_76, %lt3A : i32
      %convert_element_type3A = arith.extui %lt3A_77 : i1 to i32
      %cond3A = arith.constant 0 : i32
      %cond3A_78 = arith.cmpi ne, %convert_element_type3A, %cond3A : i32
      scf.if %cond3A_78 {
        %mul3A_88 = arith.constant 10112 : i32
        %mul3A_89 = arith.muli %arg1, %mul3A_88 : i32
        %dma_wait3A = arith.constant 0 : i32
        %dma_wait3A_90 = arith.constant 0 : i32
        %dma_wait3A_91 = tpu.memref_slice %arg8[%dma_wait3A, %dma_wait3A_90] : memref<2x128xi32, #tpu.memory_space<vmem>> -> memref<1x128xi32, #tpu.memory_space<vmem>>
        %dma_wait3A_92 = tpu.memref_squeeze %dma_wait3A_91 : memref<1x128xi32, #tpu.memory_space<vmem>> -> memref<128xi32, #tpu.memory_space<vmem>>
        %dma_wait3A_93 = tpu.memref_slice %arg4[%mul3A_89] : memref<161792xi32, #tpu.memory_space<hbm>> -> memref<128xi32, #tpu.memory_space<hbm>>
        %dma_wait3A_94 = arith.constant 0 : i32
        %dma_wait3A_95 = tpu.memref_slice %arg8[%dma_wait3A, %dma_wait3A_94] : memref<2x128xi32, #tpu.memory_space<vmem>> -> memref<1x128xi32, #tpu.memory_space<vmem>>
        %dma_wait3A_96 = tpu.memref_squeeze %dma_wait3A_95 : memref<1x128xi32, #tpu.memory_space<vmem>> -> memref<128xi32, #tpu.memory_space<vmem>>
        %dma_wait3A_97 = tpu.memref_slice %arg4[%mul3A_89] : memref<161792xi32, #tpu.memory_space<hbm>> -> memref<128xi32, #tpu.memory_space<hbm>>
        tpu.wait_dma2 semaphore(%arg10 : memref<!tpu.dma_semaphore, #tpu.memory_space<semaphore_mem>>) src(%dma_wait3A_97 : memref<128xi32, #tpu.memory_space<hbm>>) dst(%dma_wait3A_96 : memref<128xi32, #tpu.memory_space<vmem>>)
        %dma_wait3A_98 = arith.constant 0 : i32
        %dma_wait3A_99 = arith.constant 0 : i32
        %dma_wait3A_100 = arith.constant 0 : i32
        %dma_wait3A_101 = tpu.memref_slice %arg9[%dma_wait3A_98, %dma_wait3A_99, %dma_wait3A_100] : memref<2x128x128xf32, #tpu.memory_space<vmem>> -> memref<1x128x128xf32, #tpu.memory_space<vmem>>
        %dma_wait3A_102 = tpu.memref_squeeze %dma_wait3A_101 : memref<1x128x128xf32, #tpu.memory_space<vmem>> -> memref<128x128xf32, #tpu.memory_space<vmem>>
        %dma_wait3A_103 = arith.constant 0 : i32
        %dma_wait3A_104 = tpu.memref_slice %arg7[%add3A_76, %dma_wait3A_103] : memref<79x128xi32, #tpu.memory_space<vmem>> -> memref<1x128xi32, #tpu.memory_space<vmem>>
        %dma_wait3A_105 = tpu.memref_squeeze %dma_wait3A_104 : memref<1x128xi32, #tpu.memory_space<vmem>> -> memref<128xi32, #tpu.memory_space<vmem>>
        %dma_wait3A_106 = arith.constant 0 : i32
        %dma_wait3A_107 = arith.constant 0 : i32
        %dma_wait3A_108 = tpu.memref_slice %arg2[%dma_wait3A_106, %dma_wait3A_107] : memref<20000x128xf32, #tpu.memory_space<hbm>> -> memref<20000x128xf32, #tpu.memory_space<hbm>>
        tpu.wait_indirect_dma semaphore(%arg12 : memref<!tpu.dma_semaphore, #tpu.memory_space<semaphore_mem>>) src(%dma_wait3A_108 : memref<20000x128xf32, #tpu.memory_space<hbm>>) dst(%dma_wait3A_102 : memref<128x128xf32, #tpu.memory_space<vmem>>)
        %run_scoped3A = arith.constant 0 : i32
        %run_scoped3A_109 = arith.constant 0 : i32
        "tpu.region"() ({
          %run_scoped3A_117 = tpu.sem_alloc : memref<!tpu.dma_semaphore, #tpu.memory_space<semaphore_mem>>
          %dma_start3A_118 = arith.constant 0 : i32
          %dma_start3A_119 = arith.constant 0 : i32
          %dma_start3A_120 = tpu.memref_slice %arg9[%run_scoped3A, %dma_start3A_118, %dma_start3A_119] : memref<2x128x128xf32, #tpu.memory_space<vmem>> -> memref<1x128x128xf32, #tpu.memory_space<vmem>>
          %dma_start3A_121 = tpu.memref_squeeze %dma_start3A_120 : memref<1x128x128xf32, #tpu.memory_space<vmem>> -> memref<128x128xf32, #tpu.memory_space<vmem>>
          %dma_start3A_122 = arith.constant 0 : i32
          %dma_start3A_123 = tpu.memref_slice %arg8[%run_scoped3A_109, %dma_start3A_122] : memref<2x128xi32, #tpu.memory_space<vmem>> -> memref<1x128xi32, #tpu.memory_space<vmem>>
          %dma_start3A_124 = tpu.memref_squeeze %dma_start3A_123 : memref<1x128xi32, #tpu.memory_space<vmem>> -> memref<128xi32, #tpu.memory_space<vmem>>
          %dma_start3A_125 = arith.constant 0 : i32
          %dma_start3A_126 = arith.constant 0 : i32
          %dma_start3A_127 = tpu.memref_slice %arg6[%dma_start3A_125, %dma_start3A_126] : memref<10008x128xf32, #tpu.memory_space<vmem_shared>> -> memref<10008x128xf32, #tpu.memory_space<vmem_shared>>
          tpu.enqueue_indirect_dma source(%dma_start3A_121 : memref<128x128xf32, #tpu.memory_space<vmem>>) target(%dma_start3A_127 : memref<10008x128xf32, #tpu.memory_space<vmem_shared>>) offsets(%dma_start3A_124 : memref<128xi32, #tpu.memory_space<vmem>>) semaphore(%run_scoped3A_117 : memref<!tpu.dma_semaphore, #tpu.memory_space<semaphore_mem>>) {add = true}
          %dma_wait3A_128 = arith.constant 0 : i32
          %dma_wait3A_129 = arith.constant 0 : i32
          %dma_wait3A_130 = tpu.memref_slice %arg9[%run_scoped3A, %dma_wait3A_128, %dma_wait3A_129] : memref<2x128x128xf32, #tpu.memory_space<vmem>> -> memref<1x128x128xf32, #tpu.memory_space<vmem>>
          %dma_wait3A_131 = tpu.memref_squeeze %dma_wait3A_130 : memref<1x128x128xf32, #tpu.memory_space<vmem>> -> memref<128x128xf32, #tpu.memory_space<vmem>>
          %dma_wait3A_132 = arith.constant 0 : i32
          %dma_wait3A_133 = tpu.memref_slice %arg8[%run_scoped3A_109, %dma_wait3A_132] : memref<2x128xi32, #tpu.memory_space<vmem>> -> memref<1x128xi32, #tpu.memory_space<vmem>>
          %dma_wait3A_134 = tpu.memref_squeeze %dma_wait3A_133 : memref<1x128xi32, #tpu.memory_space<vmem>> -> memref<128xi32, #tpu.memory_space<vmem>>
          %dma_wait3A_135 = arith.constant 0 : i32
          %dma_wait3A_136 = arith.constant 0 : i32
          %dma_wait3A_137 = tpu.memref_slice %arg6[%dma_wait3A_135, %dma_wait3A_136] : memref<10008x128xf32, #tpu.memory_space<vmem_shared>> -> memref<10008x128xf32, #tpu.memory_space<vmem_shared>>
          tpu.wait_indirect_dma semaphore(%run_scoped3A_117 : memref<!tpu.dma_semaphore, #tpu.memory_space<semaphore_mem>>) src(%dma_wait3A_131 : memref<128x128xf32, #tpu.memory_space<vmem>>) dst(%dma_wait3A_137 : memref<10008x128xf32, #tpu.memory_space<vmem_shared>>)
          tpu.yield
        }) : () -> ()
        %add3A_110 = arith.constant 2 : i32
        %add3A_111 = arith.addi %add3A_76, %add3A_110 : i32
        %lt3A_112 = arith.constant 79 : i32
        %lt3A_113 = arith.cmpi slt, %add3A_111, %lt3A_112 : i32
        %convert_element_type3A_114 = arith.extui %lt3A_113 : i1 to i32
        %cond3A_115 = arith.constant 0 : i32
        %cond3A_116 = arith.cmpi ne, %convert_element_type3A_114, %cond3A_115 : i32
        scf.if %cond3A_116 {
          %mul3A_117 = arith.constant 10112 : i32
          %mul3A_118 = arith.muli %arg1, %mul3A_117 : i32
          %mul3A_119 = arith.constant 128 : i32
          %mul3A_120 = arith.muli %add3A_111, %mul3A_119 : i32
          %add3A_121 = arith.addi %mul3A_118, %mul3A_120 : i32
          %dma_start3A_122 = arith.constant 0 : i32
          %dma_start3A_123 = arith.constant 0 : i32
          %dma_start3A_124 = tpu.memref_slice %arg8[%dma_start3A_122, %dma_start3A_123] : memref<2x128xi32, #tpu.memory_space<vmem>> -> memref<1x128xi32, #tpu.memory_space<vmem>>
          %dma_start3A_125 = tpu.memref_squeeze %dma_start3A_124 : memref<1x128xi32, #tpu.memory_space<vmem>> -> memref<128xi32, #tpu.memory_space<vmem>>
          %dma_start3A_126 = tpu.memref_slice %arg4[%add3A_121] : memref<161792xi32, #tpu.memory_space<hbm>> -> memref<128xi32, #tpu.memory_space<hbm>>
          %dma_start3A_127 = arith.constant 0 : i32
          %dma_start3A_128 = tpu.memref_slice %arg8[%dma_start3A_122, %dma_start3A_127] : memref<2x128xi32, #tpu.memory_space<vmem>> -> memref<1x128xi32, #tpu.memory_space<vmem>>
          %dma_start3A_129 = tpu.memref_squeeze %dma_start3A_128 : memref<1x128xi32, #tpu.memory_space<vmem>> -> memref<128xi32, #tpu.memory_space<vmem>>
          %dma_start3A_130 = tpu.memref_slice %arg4[%add3A_121] : memref<161792xi32, #tpu.memory_space<hbm>> -> memref<128xi32, #tpu.memory_space<hbm>>
          tpu.enqueue_dma source(%dma_start3A_130 : memref<128xi32, #tpu.memory_space<hbm>>) target(%dma_start3A_129 : memref<128xi32, #tpu.memory_space<vmem>>) target_semaphore(%arg10 : memref<!tpu.dma_semaphore, #tpu.memory_space<semaphore_mem>>)
          %dma_start3A_131 = arith.constant 0 : i32
          %dma_start3A_132 = arith.constant 0 : i32
          %dma_start3A_133 = arith.constant 0 : i32
          %dma_start3A_134 = tpu.memref_slice %arg9[%dma_start3A_131, %dma_start3A_132, %dma_start3A_133] : memref<2x128x128xf32, #tpu.memory_space<vmem>> -> memref<1x128x128xf32, #tpu.memory_space<vmem>>
          %dma_start3A_135 = tpu.memref_squeeze %dma_start3A_134 : memref<1x128x128xf32, #tpu.memory_space<vmem>> -> memref<128x128xf32, #tpu.memory_space<vmem>>
          %dma_start3A_136 = arith.constant 0 : i32
          %dma_start3A_137 = tpu.memref_slice %arg7[%add3A_111, %dma_start3A_136] : memref<79x128xi32, #tpu.memory_space<vmem>> -> memref<1x128xi32, #tpu.memory_space<vmem>>
          %dma_start3A_138 = tpu.memref_squeeze %dma_start3A_137 : memref<1x128xi32, #tpu.memory_space<vmem>> -> memref<128xi32, #tpu.memory_space<vmem>>
          %dma_start3A_139 = arith.constant 0 : i32
          %dma_start3A_140 = arith.constant 0 : i32
          %dma_start3A_141 = tpu.memref_slice %arg2[%dma_start3A_139, %dma_start3A_140] : memref<20000x128xf32, #tpu.memory_space<hbm>> -> memref<20000x128xf32, #tpu.memory_space<hbm>>
          tpu.enqueue_indirect_dma source(%dma_start3A_141 : memref<20000x128xf32, #tpu.memory_space<hbm>>) target(%dma_start3A_135 : memref<128x128xf32, #tpu.memory_space<vmem>>) offsets(%dma_start3A_138 : memref<128xi32, #tpu.memory_space<vmem>>) semaphore(%arg12 : memref<!tpu.dma_semaphore, #tpu.memory_space<semaphore_mem>>)
        } else {
        }
      } else {
      }
      %mul3A_79 = arith.constant 2 : i32
      %mul3A_80 = arith.muli %scan3A_72, %mul3A_79 : i32
      %add3A_81 = arith.constant 1 : i32
      %add3A_82 = arith.addi %mul3A_80, %add3A_81 : i32
      %lt3A_83 = arith.constant 79 : i32
      %lt3A_84 = arith.cmpi slt, %add3A_82, %lt3A_83 : i32
      %convert_element_type3A_85 = arith.extui %lt3A_84 : i1 to i32
      %cond3A_86 = arith.constant 0 : i32
      %cond3A_87 = arith.cmpi ne, %convert_element_type3A_85, %cond3A_86 : i32
      scf.if %cond3A_87 {
        %mul3A_88 = arith.constant 10112 : i32
        %mul3A_89 = arith.muli %arg1, %mul3A_88 : i32
        %dma_wait3A = arith.constant 1 : i32
        %dma_wait3A_90 = arith.constant 0 : i32
        %dma_wait3A_91 = tpu.memref_slice %arg8[%dma_wait3A, %dma_wait3A_90] : memref<2x128xi32, #tpu.memory_space<vmem>> -> memref<1x128xi32, #tpu.memory_space<vmem>>
        %dma_wait3A_92 = tpu.memref_squeeze %dma_wait3A_91 : memref<1x128xi32, #tpu.memory_space<vmem>> -> memref<128xi32, #tpu.memory_space<vmem>>
        %dma_wait3A_93 = tpu.memref_slice %arg4[%mul3A_89] : memref<161792xi32, #tpu.memory_space<hbm>> -> memref<128xi32, #tpu.memory_space<hbm>>
        %dma_wait3A_94 = arith.constant 0 : i32
        %dma_wait3A_95 = tpu.memref_slice %arg8[%dma_wait3A, %dma_wait3A_94] : memref<2x128xi32, #tpu.memory_space<vmem>> -> memref<1x128xi32, #tpu.memory_space<vmem>>
        %dma_wait3A_96 = tpu.memref_squeeze %dma_wait3A_95 : memref<1x128xi32, #tpu.memory_space<vmem>> -> memref<128xi32, #tpu.memory_space<vmem>>
        %dma_wait3A_97 = tpu.memref_slice %arg4[%mul3A_89] : memref<161792xi32, #tpu.memory_space<hbm>> -> memref<128xi32, #tpu.memory_space<hbm>>
        tpu.wait_dma2 semaphore(%arg11 : memref<!tpu.dma_semaphore, #tpu.memory_space<semaphore_mem>>) src(%dma_wait3A_97 : memref<128xi32, #tpu.memory_space<hbm>>) dst(%dma_wait3A_96 : memref<128xi32, #tpu.memory_space<vmem>>)
        %dma_wait3A_98 = arith.constant 1 : i32
        %dma_wait3A_99 = arith.constant 0 : i32
        %dma_wait3A_100 = arith.constant 0 : i32
        %dma_wait3A_101 = tpu.memref_slice %arg9[%dma_wait3A_98, %dma_wait3A_99, %dma_wait3A_100] : memref<2x128x128xf32, #tpu.memory_space<vmem>> -> memref<1x128x128xf32, #tpu.memory_space<vmem>>
        %dma_wait3A_102 = tpu.memref_squeeze %dma_wait3A_101 : memref<1x128x128xf32, #tpu.memory_space<vmem>> -> memref<128x128xf32, #tpu.memory_space<vmem>>
        %dma_wait3A_103 = arith.constant 0 : i32
        %dma_wait3A_104 = tpu.memref_slice %arg7[%add3A_82, %dma_wait3A_103] : memref<79x128xi32, #tpu.memory_space<vmem>> -> memref<1x128xi32, #tpu.memory_space<vmem>>
        %dma_wait3A_105 = tpu.memref_squeeze %dma_wait3A_104 : memref<1x128xi32, #tpu.memory_space<vmem>> -> memref<128xi32, #tpu.memory_space<vmem>>
        %dma_wait3A_106 = arith.constant 0 : i32
        %dma_wait3A_107 = arith.constant 0 : i32
        %dma_wait3A_108 = tpu.memref_slice %arg2[%dma_wait3A_106, %dma_wait3A_107] : memref<20000x128xf32, #tpu.memory_space<hbm>> -> memref<20000x128xf32, #tpu.memory_space<hbm>>
        tpu.wait_indirect_dma semaphore(%arg13 : memref<!tpu.dma_semaphore, #tpu.memory_space<semaphore_mem>>) src(%dma_wait3A_108 : memref<20000x128xf32, #tpu.memory_space<hbm>>) dst(%dma_wait3A_102 : memref<128x128xf32, #tpu.memory_space<vmem>>)
        %run_scoped3A = arith.constant 1 : i32
        %run_scoped3A_109 = arith.constant 1 : i32
        "tpu.region"() ({
          %run_scoped3A_117 = tpu.sem_alloc : memref<!tpu.dma_semaphore, #tpu.memory_space<semaphore_mem>>
          %dma_start3A_118 = arith.constant 0 : i32
          %dma_start3A_119 = arith.constant 0 : i32
          %dma_start3A_120 = tpu.memref_slice %arg9[%run_scoped3A, %dma_start3A_118, %dma_start3A_119] : memref<2x128x128xf32, #tpu.memory_space<vmem>> -> memref<1x128x128xf32, #tpu.memory_space<vmem>>
          %dma_start3A_121 = tpu.memref_squeeze %dma_start3A_120 : memref<1x128x128xf32, #tpu.memory_space<vmem>> -> memref<128x128xf32, #tpu.memory_space<vmem>>
          %dma_start3A_122 = arith.constant 0 : i32
          %dma_start3A_123 = tpu.memref_slice %arg8[%run_scoped3A_109, %dma_start3A_122] : memref<2x128xi32, #tpu.memory_space<vmem>> -> memref<1x128xi32, #tpu.memory_space<vmem>>
          %dma_start3A_124 = tpu.memref_squeeze %dma_start3A_123 : memref<1x128xi32, #tpu.memory_space<vmem>> -> memref<128xi32, #tpu.memory_space<vmem>>
          %dma_start3A_125 = arith.constant 0 : i32
          %dma_start3A_126 = arith.constant 0 : i32
          %dma_start3A_127 = tpu.memref_slice %arg6[%dma_start3A_125, %dma_start3A_126] : memref<10008x128xf32, #tpu.memory_space<vmem_shared>> -> memref<10008x128xf32, #tpu.memory_space<vmem_shared>>
          tpu.enqueue_indirect_dma source(%dma_start3A_121 : memref<128x128xf32, #tpu.memory_space<vmem>>) target(%dma_start3A_127 : memref<10008x128xf32, #tpu.memory_space<vmem_shared>>) offsets(%dma_start3A_124 : memref<128xi32, #tpu.memory_space<vmem>>) semaphore(%run_scoped3A_117 : memref<!tpu.dma_semaphore, #tpu.memory_space<semaphore_mem>>) {add = true}
          %dma_wait3A_128 = arith.constant 0 : i32
          %dma_wait3A_129 = arith.constant 0 : i32
          %dma_wait3A_130 = tpu.memref_slice %arg9[%run_scoped3A, %dma_wait3A_128, %dma_wait3A_129] : memref<2x128x128xf32, #tpu.memory_space<vmem>> -> memref<1x128x128xf32, #tpu.memory_space<vmem>>
          %dma_wait3A_131 = tpu.memref_squeeze %dma_wait3A_130 : memref<1x128x128xf32, #tpu.memory_space<vmem>> -> memref<128x128xf32, #tpu.memory_space<vmem>>
          %dma_wait3A_132 = arith.constant 0 : i32
          %dma_wait3A_133 = tpu.memref_slice %arg8[%run_scoped3A_109, %dma_wait3A_132] : memref<2x128xi32, #tpu.memory_space<vmem>> -> memref<1x128xi32, #tpu.memory_space<vmem>>
          %dma_wait3A_134 = tpu.memref_squeeze %dma_wait3A_133 : memref<1x128xi32, #tpu.memory_space<vmem>> -> memref<128xi32, #tpu.memory_space<vmem>>
          %dma_wait3A_135 = arith.constant 0 : i32
          %dma_wait3A_136 = arith.constant 0 : i32
          %dma_wait3A_137 = tpu.memref_slice %arg6[%dma_wait3A_135, %dma_wait3A_136] : memref<10008x128xf32, #tpu.memory_space<vmem_shared>> -> memref<10008x128xf32, #tpu.memory_space<vmem_shared>>
          tpu.wait_indirect_dma semaphore(%run_scoped3A_117 : memref<!tpu.dma_semaphore, #tpu.memory_space<semaphore_mem>>) src(%dma_wait3A_131 : memref<128x128xf32, #tpu.memory_space<vmem>>) dst(%dma_wait3A_137 : memref<10008x128xf32, #tpu.memory_space<vmem_shared>>)
          tpu.yield
        }) : () -> ()
        %add3A_110 = arith.constant 2 : i32
        %add3A_111 = arith.addi %add3A_82, %add3A_110 : i32
        %lt3A_112 = arith.constant 79 : i32
        %lt3A_113 = arith.cmpi slt, %add3A_111, %lt3A_112 : i32
        %convert_element_type3A_114 = arith.extui %lt3A_113 : i1 to i32
        %cond3A_115 = arith.constant 0 : i32
        %cond3A_116 = arith.cmpi ne, %convert_element_type3A_114, %cond3A_115 : i32
        scf.if %cond3A_116 {
          %mul3A_117 = arith.constant 10112 : i32
          %mul3A_118 = arith.muli %arg1, %mul3A_117 : i32
          %mul3A_119 = arith.constant 128 : i32
          %mul3A_120 = arith.muli %add3A_111, %mul3A_119 : i32
          %add3A_121 = arith.addi %mul3A_118, %mul3A_120 : i32
          %dma_start3A_122 = arith.constant 1 : i32
          %dma_start3A_123 = arith.constant 0 : i32
          %dma_start3A_124 = tpu.memref_slice %arg8[%dma_start3A_122, %dma_start3A_123] : memref<2x128xi32, #tpu.memory_space<vmem>> -> memref<1x128xi32, #tpu.memory_space<vmem>>
          %dma_start3A_125 = tpu.memref_squeeze %dma_start3A_124 : memref<1x128xi32, #tpu.memory_space<vmem>> -> memref<128xi32, #tpu.memory_space<vmem>>
          %dma_start3A_126 = tpu.memref_slice %arg4[%add3A_121] : memref<161792xi32, #tpu.memory_space<hbm>> -> memref<128xi32, #tpu.memory_space<hbm>>
          %dma_start3A_127 = arith.constant 0 : i32
          %dma_start3A_128 = tpu.memref_slice %arg8[%dma_start3A_122, %dma_start3A_127] : memref<2x128xi32, #tpu.memory_space<vmem>> -> memref<1x128xi32, #tpu.memory_space<vmem>>
          %dma_start3A_129 = tpu.memref_squeeze %dma_start3A_128 : memref<1x128xi32, #tpu.memory_space<vmem>> -> memref<128xi32, #tpu.memory_space<vmem>>
          %dma_start3A_130 = tpu.memref_slice %arg4[%add3A_121] : memref<161792xi32, #tpu.memory_space<hbm>> -> memref<128xi32, #tpu.memory_space<hbm>>
          tpu.enqueue_dma source(%dma_start3A_130 : memref<128xi32, #tpu.memory_space<hbm>>) target(%dma_start3A_129 : memref<128xi32, #tpu.memory_space<vmem>>) target_semaphore(%arg11 : memref<!tpu.dma_semaphore, #tpu.memory_space<semaphore_mem>>)
          %dma_start3A_131 = arith.constant 1 : i32
          %dma_start3A_132 = arith.constant 0 : i32
          %dma_start3A_133 = arith.constant 0 : i32
          %dma_start3A_134 = tpu.memref_slice %arg9[%dma_start3A_131, %dma_start3A_132, %dma_start3A_133] : memref<2x128x128xf32, #tpu.memory_space<vmem>> -> memref<1x128x128xf32, #tpu.memory_space<vmem>>
          %dma_start3A_135 = tpu.memref_squeeze %dma_start3A_134 : memref<1x128x128xf32, #tpu.memory_space<vmem>> -> memref<128x128xf32, #tpu.memory_space<vmem>>
          %dma_start3A_136 = arith.constant 0 : i32
          %dma_start3A_137 = tpu.memref_slice %arg7[%add3A_111, %dma_start3A_136] : memref<79x128xi32, #tpu.memory_space<vmem>> -> memref<1x128xi32, #tpu.memory_space<vmem>>
          %dma_start3A_138 = tpu.memref_squeeze %dma_start3A_137 : memref<1x128xi32, #tpu.memory_space<vmem>> -> memref<128xi32, #tpu.memory_space<vmem>>
          %dma_start3A_139 = arith.constant 0 : i32
          %dma_start3A_140 = arith.constant 0 : i32
          %dma_start3A_141 = tpu.memref_slice %arg2[%dma_start3A_139, %dma_start3A_140] : memref<20000x128xf32, #tpu.memory_space<hbm>> -> memref<20000x128xf32, #tpu.memory_space<hbm>>
          tpu.enqueue_indirect_dma source(%dma_start3A_141 : memref<20000x128xf32, #tpu.memory_space<hbm>>) target(%dma_start3A_135 : memref<128x128xf32, #tpu.memory_space<vmem>>) offsets(%dma_start3A_138 : memref<128xi32, #tpu.memory_space<vmem>>) semaphore(%arg13 : memref<!tpu.dma_semaphore, #tpu.memory_space<semaphore_mem>>)
        } else {
        }
      } else {
      }
    }
    %scan3A_64 = arith.constant 40 : i32
    %barrier3A_65 = arith.constant 0 : index
    tpu.barrier barrier_id(%barrier3A_65)
    %scan3A_66 = arith.constant 0 : i32
    %scan3A_67 = arith.constant 0 : i32
    %scan3A_68 = arith.constant 8 : i32
    %scan3A_69 = arith.addi %scan3A_67, %scan3A_68 : i32
    %scan3A_70 = arith.constant 1 : i32
    scf.for %scan3A_72 = %scan3A_67 to %scan3A_69 step %scan3A_70  : i32 {
      %mul3A_73 = arith.constant 16 : i32
      %mul3A_74 = arith.muli %scan3A_72, %mul3A_73 : i32
      %add3A_75 = arith.addi %mul3A_74, %arg1 : i32
      %lt3A = arith.constant 125 : i32
      %lt3A_76 = arith.cmpi slt, %add3A_75, %lt3A : i32
      %convert_element_type3A = arith.extui %lt3A_76 : i1 to i32
      %cond3A = arith.constant 0 : i32
      %cond3A_77 = arith.cmpi ne, %convert_element_type3A, %cond3A : i32
      scf.if %cond3A_77 {
        %mul3A_78 = arith.constant 80 : i32
        %mul3A_79 = arith.muli %add3A_75, %mul3A_78 : i32
        %mul3A_80 = arith.constant 10000 : i32
        %mul3A_81 = arith.muli %arg0, %mul3A_80 : i32
        %add3A_82 = arith.addi %mul3A_81, %mul3A_79 : i32
        "tpu.region"() ({
          %run_scoped3A = tpu.sem_alloc : memref<!tpu.dma_semaphore, #tpu.memory_space<semaphore_mem>>
          %dma_start3A_83 = arith.constant 0 : i32
          %dma_start3A_84 = tpu.memref_slice %arg5[%add3A_82, %dma_start3A_83] : memref<20000x128xf32, #tpu.memory_space<hbm>> -> memref<80x128xf32, #tpu.memory_space<hbm>>
          %dma_start3A_85 = arith.constant 0 : i32
          %dma_start3A_86 = tpu.memref_slice %arg6[%mul3A_79, %dma_start3A_85] : memref<10008x128xf32, #tpu.memory_space<vmem_shared>> -> memref<80x128xf32, #tpu.memory_space<vmem_shared>>
          tpu.enqueue_dma source(%dma_start3A_86 : memref<80x128xf32, #tpu.memory_space<vmem_shared>>) target(%dma_start3A_84 : memref<80x128xf32, #tpu.memory_space<hbm>>) target_semaphore(%run_scoped3A : memref<!tpu.dma_semaphore, #tpu.memory_space<semaphore_mem>>)
          %dma_wait3A = arith.constant 0 : i32
          %dma_wait3A_87 = tpu.memref_slice %arg5[%add3A_82, %dma_wait3A] : memref<20000x128xf32, #tpu.memory_space<hbm>> -> memref<80x128xf32, #tpu.memory_space<hbm>>
          %dma_wait3A_88 = arith.constant 0 : i32
          %dma_wait3A_89 = tpu.memref_slice %arg6[%mul3A_79, %dma_wait3A_88] : memref<10008x128xf32, #tpu.memory_space<vmem_shared>> -> memref<80x128xf32, #tpu.memory_space<vmem_shared>>
          tpu.wait_dma2 semaphore(%run_scoped3A : memref<!tpu.dma_semaphore, #tpu.memory_space<semaphore_mem>>) src(%dma_wait3A_89 : memref<80x128xf32, #tpu.memory_space<vmem_shared>>) dst(%dma_wait3A_87 : memref<80x128xf32, #tpu.memory_space<hbm>>)
          tpu.yield
        }) : () -> ()
      } else {
      }
    }
    %scan3A_71 = arith.constant 8 : i32
    return
  }
}

module attributes {stable_mosaic.version = 14 : i64} {
  func.func @_prep_body(%arg0: i32, %arg1: memref<32x10000xf32, #tpu.memory_space<vmem>>, %arg2: memref<10000x256xf32, #tpu.memory_space<vmem>>, %arg3: memref<10000x128xf32, #tpu.memory_space<vmem>>, %arg4: memref<2x10000x128xf32, #tpu.memory_space<vmem>>) attributes {dimension_semantics = [#tpu.dimension_semantics<arbitrary>], iteration_bounds = array<i64: 1>, scalar_prefetch = 0 : i64, scratch_operands = 0 : i64, tpu.core_type = #tpu.core_type<tc>, window_params = [{pipeline_mode = #tpu.pipeline_mode<synchronous>, transform_indices = @transform_0, window_bounds = array<i64: 32, 10000>}, {pipeline_mode = #tpu.pipeline_mode<synchronous>, transform_indices = @transform_1, window_bounds = array<i64: 10000, 256>}, {pipeline_mode = #tpu.pipeline_mode<synchronous>, transform_indices = @transform_2, window_bounds = array<i64: 10000, 128>}, {pipeline_mode = #tpu.pipeline_mode<synchronous>, transform_indices = @transform_3, window_bounds = array<i64: 2, 10000, 128>}]} {
    %get3A = arith.constant 0 : index
    %get3A_0 = arith.constant 0 : index
    %get3A_1 = vector.load %arg1[%get3A, %get3A_0] : memref<32x10000xf32, #tpu.memory_space<vmem>>, vector<32x10000xf32>
    %reduce_sum3A = arith.constant dense<0.000000e+00> : vector<10000xf32>
    %reduce_sum3A_2 = vector.multi_reduction <add>, %get3A_1, %reduce_sum3A [0] : vector<32x10000xf32> to vector<10000xf32>
    %add3A = arith.constant 1.000000e+00 : f32
    %add3A_3 = vector.broadcast %add3A : f32 to vector<10000xf32>
    %add3A_4 = arith.addf %reduce_sum3A_2, %add3A_3 : vector<10000xf32>
    %rsqrt3A = math.rsqrt %add3A_4 : vector<10000xf32>
    %broadcast_in_dim3A = vector.shape_cast %rsqrt3A : vector<10000xf32> to vector<10000x1xf32>
    %broadcast_in_dim3A_5 = vector.shape_cast %broadcast_in_dim3A : vector<10000x1xf32> to vector<10000x1xf32>
    %broadcast_in_dim3A_6 = vector.broadcast %broadcast_in_dim3A_5 : vector<10000x1xf32> to vector<10000x128xf32>
    %swap3A = arith.constant 0 : index
    %swap3A_7 = arith.constant 0 : index
    %swap3A_8 = vector.load %arg3[%swap3A, %swap3A_7] : memref<10000x128xf32, #tpu.memory_space<vmem>>, vector<10000x128xf32>
    tpu.vector_store %arg3[%swap3A, %swap3A_7], %broadcast_in_dim3A_6 {strides = array<i32>} : memref<10000x128xf32, #tpu.memory_space<vmem>>, vector<10000x128xf32>,
    %get3A_9 = arith.constant 0 : index
    %get3A_10 = arith.constant 0 : index
    %get3A_11 = vector.load %arg2[%get3A_9, %get3A_10] : memref<10000x256xf32, #tpu.memory_space<vmem>>, vector<10000x128xf32>
    %mul3A = arith.mulf %get3A_11, %broadcast_in_dim3A_6 : vector<10000x128xf32>
    %swap3A_12 = arith.constant 0 : index
    %swap3A_13 = arith.constant 0 : index
    %swap3A_14 = arith.constant 0 : index
    %swap3A_15 = vector.load %arg4[%swap3A_12, %swap3A_13, %swap3A_14] : memref<2x10000x128xf32, #tpu.memory_space<vmem>>, vector<1x10000x128xf32>
    %swap3A_16 = vector.shape_cast %swap3A_15 : vector<1x10000x128xf32> to vector<10000x128xf32>
    %swap3A_17 = vector.shape_cast %mul3A : vector<10000x128xf32> to vector<1x10000x128xf32>
    tpu.vector_store %arg4[%swap3A_12, %swap3A_13, %swap3A_14], %swap3A_17 {strides = array<i32>} : memref<2x10000x128xf32, #tpu.memory_space<vmem>>, vector<1x10000x128xf32>,
    %get3A_18 = arith.constant 0 : index
    %get3A_19 = arith.constant 128 : index
    %get3A_20 = vector.load %arg2[%get3A_18, %get3A_19] : memref<10000x256xf32, #tpu.memory_space<vmem>>, vector<10000x128xf32>
    %mul3A_21 = arith.mulf %get3A_20, %broadcast_in_dim3A_6 : vector<10000x128xf32>
    %swap3A_22 = arith.constant 1 : index
    %swap3A_23 = arith.constant 0 : index
    %swap3A_24 = arith.constant 0 : index
    %swap3A_25 = vector.load %arg4[%swap3A_22, %swap3A_23, %swap3A_24] : memref<2x10000x128xf32, #tpu.memory_space<vmem>>, vector<1x10000x128xf32>
    %swap3A_26 = vector.shape_cast %swap3A_25 : vector<1x10000x128xf32> to vector<10000x128xf32>
    %swap3A_27 = vector.shape_cast %mul3A_21 : vector<10000x128xf32> to vector<1x10000x128xf32>
    tpu.vector_store %arg4[%swap3A_22, %swap3A_23, %swap3A_24], %swap3A_27 {strides = array<i32>} : memref<2x10000x128xf32, #tpu.memory_space<vmem>>, vector<1x10000x128xf32>,
    return
  }
  func.func @transform_0(%arg0: i32) -> (i32, i32) {
    %c0_i32 = arith.constant 0 : i32
    %c0_i32_0 = arith.constant 0 : i32
    %c0_i32_1 = arith.constant 0 : i32
    return %c0_i32, %c0_i32_0 : i32, i32
  }
  func.func @transform_1(%arg0: i32) -> (i32, i32) {
    %c0_i32 = arith.constant 0 : i32
    %c0_i32_0 = arith.constant 0 : i32
    %c0_i32_1 = arith.constant 0 : i32
    return %c0_i32, %c0_i32_0 : i32, i32
  }
  func.func @transform_2(%arg0: i32) -> (i32, i32) {
    %c0_i32 = arith.constant 0 : i32
    %c0_i32_0 = arith.constant 0 : i32
    %c0_i32_1 = arith.constant 0 : i32
    return %c0_i32, %c0_i32_0 : i32, i32
  }
  func.func @transform_3(%arg0: i32) -> (i32, i32, i32) {
    %c0_i32 = arith.constant 0 : i32
    %c0_i32_0 = arith.constant 0 : i32
    %c0_i32_1 = arith.constant 0 : i32
    %c0_i32_2 = arith.constant 0 : i32
    return %c0_i32, %c0_i32_0, %c0_i32_1 : i32, i32, i32
  }
}

module attributes {stable_mosaic.version = 14 : i64} {
  func.func @_mid_body(%arg0: i32, %arg1: memref<400x128xf32, #tpu.memory_space<vmem>>, %arg2: memref<2x400x128xf32, #tpu.memory_space<vmem>>, %arg3: memref<2x400x128xf32, #tpu.memory_space<vmem>>, %arg4: memref<256x512xf32, #tpu.memory_space<vmem>>, %arg5: memref<512xf32, #tpu.memory_space<vmem>>, %arg6: memref<512x256xf32, #tpu.memory_space<vmem>>, %arg7: memref<2x400x128xf32, #tpu.memory_space<vmem>>) attributes {dimension_semantics = [#tpu.dimension_semantics<arbitrary>], iteration_bounds = array<i64: 25>, scalar_prefetch = 0 : i64, scratch_operands = 0 : i64, tpu.core_type = #tpu.core_type<tc>, window_params = [{transform_indices = @transform_0, window_bounds = array<i64: 400, 128>}, {transform_indices = @transform_1, window_bounds = array<i64: 2, 400, 128>}, {transform_indices = @transform_2, window_bounds = array<i64: 2, 400, 128>}, {pipeline_mode = #tpu.pipeline_mode<synchronous>, transform_indices = @transform_3, window_bounds = array<i64: 256, 512>}, {pipeline_mode = #tpu.pipeline_mode<synchronous>, transform_indices = @transform_4, window_bounds = array<i64: 512>}, {pipeline_mode = #tpu.pipeline_mode<synchronous>, transform_indices = @transform_5, window_bounds = array<i64: 512, 256>}, {transform_indices = @transform_6, window_bounds = array<i64: 2, 400, 128>}]} {
    %get3A = arith.constant 0 : index
    %get3A_0 = arith.constant 0 : index
    %get3A_1 = vector.load %arg1[%get3A, %get3A_0] : memref<400x128xf32, #tpu.memory_space<vmem>>, vector<400x128xf32>
    %get3A_2 = arith.constant 0 : index
    %get3A_3 = arith.constant 0 : index
    %get3A_4 = arith.constant 0 : index
    %get3A_5 = vector.load %arg2[%get3A_2, %get3A_3, %get3A_4] : memref<2x400x128xf32, #tpu.memory_space<vmem>>, vector<1x400x128xf32>
    %get3A_6 = vector.shape_cast %get3A_5 : vector<1x400x128xf32> to vector<400x128xf32>
    %get3A_7 = arith.constant 0 : index
    %get3A_8 = arith.constant 0 : index
    %get3A_9 = arith.constant 0 : index
    %get3A_10 = vector.load %arg3[%get3A_7, %get3A_8, %get3A_9] : memref<2x400x128xf32, #tpu.memory_space<vmem>>, vector<1x400x128xf32>
    %get3A_11 = vector.shape_cast %get3A_10 : vector<1x400x128xf32> to vector<400x128xf32>
    %add3A = arith.addf %get3A_6, %get3A_11 : vector<400x128xf32>
    %mul3A = arith.mulf %add3A, %get3A_1 : vector<400x128xf32>
    %get3A_12 = arith.constant 1 : index
    %get3A_13 = arith.constant 0 : index
    %get3A_14 = arith.constant 0 : index
    %get3A_15 = vector.load %arg2[%get3A_12, %get3A_13, %get3A_14] : memref<2x400x128xf32, #tpu.memory_space<vmem>>, vector<1x400x128xf32>
    %get3A_16 = vector.shape_cast %get3A_15 : vector<1x400x128xf32> to vector<400x128xf32>
    %get3A_17 = arith.constant 1 : index
    %get3A_18 = arith.constant 0 : index
    %get3A_19 = arith.constant 0 : index
    %get3A_20 = vector.load %arg3[%get3A_17, %get3A_18, %get3A_19] : memref<2x400x128xf32, #tpu.memory_space<vmem>>, vector<1x400x128xf32>
    %get3A_21 = vector.shape_cast %get3A_20 : vector<1x400x128xf32> to vector<400x128xf32>
    %add3A_22 = arith.addf %get3A_16, %get3A_21 : vector<400x128xf32>
    %mul3A_23 = arith.mulf %add3A_22, %get3A_1 : vector<400x128xf32>
    %concatenate3A = tpu.concatenate %mul3A, %mul3A_23 in 1 : vector<400x128xf32>, vector<400x128xf32> -> vector<400x256xf32>
    %convert_element_type3A = arith.truncf %concatenate3A : vector<400x256xf32> to vector<400x256xbf16>
    %get3A_24 = arith.constant 0 : index
    %get3A_25 = arith.constant 0 : index
    %get3A_26 = vector.load %arg4[%get3A_24, %get3A_25] : memref<256x512xf32, #tpu.memory_space<vmem>>, vector<256x512xf32>
    %convert_element_type3A_27 = arith.truncf %get3A_26 : vector<256x512xf32> to vector<256x512xbf16>
    %dot_general3A = arith.constant dense<0.000000e+00> : vector<400x512xf32>
    %dot_general3A_28 = tpu.matmul %convert_element_type3A, %convert_element_type3A_27, %dot_general3A {dimension_numbers = #tpu.dot_dimension_numbers<[1], [0], [0], [1], [0, 0, 1, 1], [], []>, transpose_lhs_hint = false} : vector<400x256xbf16>, vector<256x512xbf16>, vector<400x512xf32> -> vector<400x512xf32>
    %get3A_29 = arith.constant 0 : index
    %get3A_30 = vector.load %arg5[%get3A_29] : memref<512xf32, #tpu.memory_space<vmem>>, vector<512xf32>
    %broadcast_in_dim3A = vector.shape_cast %get3A_30 : vector<512xf32> to vector<1x512xf32>
    %add3A_31 = vector.broadcast %broadcast_in_dim3A : vector<1x512xf32> to vector<400x512xf32>
    %add3A_32 = arith.addf %dot_general3A_28, %add3A_31 : vector<400x512xf32>
    %max3A = arith.constant 0.000000e+00 : f32
    %max3A_33 = vector.broadcast %max3A : f32 to vector<400x512xf32>
    %max3A_34 = arith.maximumf %add3A_32, %max3A_33 : vector<400x512xf32>
    %convert_element_type3A_35 = arith.truncf %max3A_34 : vector<400x512xf32> to vector<400x512xbf16>
    %get3A_36 = arith.constant 0 : index
    %get3A_37 = arith.constant 0 : index
    %get3A_38 = vector.load %arg6[%get3A_36, %get3A_37] : memref<512x256xf32, #tpu.memory_space<vmem>>, vector<512x256xf32>
    %convert_element_type3A_39 = arith.truncf %get3A_38 : vector<512x256xf32> to vector<512x256xbf16>
    %dot_general3A_40 = arith.constant dense<0.000000e+00> : vector<400x256xf32>
    %dot_general3A_41 = tpu.matmul %convert_element_type3A_35, %convert_element_type3A_39, %dot_general3A_40 {dimension_numbers = #tpu.dot_dimension_numbers<[1], [0], [0], [1], [0, 0, 1, 1], [], []>, transpose_lhs_hint = false} : vector<400x512xbf16>, vector<512x256xbf16>, vector<400x256xf32> -> vector<400x256xf32>
    %slice3A = vector.extract_strided_slice %dot_general3A_41 {offsets = [0, 0], sizes = [400, 128], strides = [1, 1]} : vector<400x256xf32> to vector<400x128xf32>
    %mul3A_42 = arith.mulf %slice3A, %get3A_1 : vector<400x128xf32>
    %swap3A = arith.constant 0 : index
    %swap3A_43 = arith.constant 0 : index
    %swap3A_44 = arith.constant 0 : index
    %swap3A_45 = vector.load %arg7[%swap3A, %swap3A_43, %swap3A_44] : memref<2x400x128xf32, #tpu.memory_space<vmem>>, vector<1x400x128xf32>
    %swap3A_46 = vector.shape_cast %swap3A_45 : vector<1x400x128xf32> to vector<400x128xf32>
    %swap3A_47 = vector.shape_cast %mul3A_42 : vector<400x128xf32> to vector<1x400x128xf32>
    tpu.vector_store %arg7[%swap3A, %swap3A_43, %swap3A_44], %swap3A_47 {strides = array<i32>} : memref<2x400x128xf32, #tpu.memory_space<vmem>>, vector<1x400x128xf32>,
    %slice3A_48 = vector.extract_strided_slice %dot_general3A_41 {offsets = [0, 128], sizes = [400, 128], strides = [1, 1]} : vector<400x256xf32> to vector<400x128xf32>
    %mul3A_49 = arith.mulf %slice3A_48, %get3A_1 : vector<400x128xf32>
    %swap3A_50 = arith.constant 1 : index
    %swap3A_51 = arith.constant 0 : index
    %swap3A_52 = arith.constant 0 : index
    %swap3A_53 = vector.load %arg7[%swap3A_50, %swap3A_51, %swap3A_52] : memref<2x400x128xf32, #tpu.memory_space<vmem>>, vector<1x400x128xf32>
    %swap3A_54 = vector.shape_cast %swap3A_53 : vector<1x400x128xf32> to vector<400x128xf32>
    %swap3A_55 = vector.shape_cast %mul3A_49 : vector<400x128xf32> to vector<1x400x128xf32>
    tpu.vector_store %arg7[%swap3A_50, %swap3A_51, %swap3A_52], %swap3A_55 {strides = array<i32>} : memref<2x400x128xf32, #tpu.memory_space<vmem>>, vector<1x400x128xf32>,
    return
  }
  func.func @transform_0(%arg0: i32) -> (i32, i32) {
    %c0_i32 = arith.constant 0 : i32
    %c0_i32_0 = arith.constant 0 : i32
    return %arg0, %c0_i32 : i32, i32
  }
  func.func @transform_1(%arg0: i32) -> (i32, i32, i32) {
    %c0_i32 = arith.constant 0 : i32
    %c0_i32_0 = arith.constant 0 : i32
    %c0_i32_1 = arith.constant 0 : i32
    return %c0_i32, %arg0, %c0_i32_0 : i32, i32, i32
  }
  func.func @transform_2(%arg0: i32) -> (i32, i32, i32) {
    %c0_i32 = arith.constant 0 : i32
    %c0_i32_0 = arith.constant 0 : i32
    %c0_i32_1 = arith.constant 0 : i32
    return %c0_i32, %arg0, %c0_i32_0 : i32, i32, i32
  }
  func.func @transform_3(%arg0: i32) -> (i32, i32) {
    %c0_i32 = arith.constant 0 : i32
    %c0_i32_0 = arith.constant 0 : i32
    %c0_i32_1 = arith.constant 0 : i32
    return %c0_i32, %c0_i32_0 : i32, i32
  }
  func.func @transform_4(%arg0: i32) -> i32 {
    %c0_i32 = arith.constant 0 : i32
    %c0_i32_0 = arith.constant 0 : i32
    return %c0_i32 : i32
  }
  func.func @transform_5(%arg0: i32) -> (i32, i32) {
    %c0_i32 = arith.constant 0 : i32
    %c0_i32_0 = arith.constant 0 : i32
    %c0_i32_1 = arith.constant 0 : i32
    return %c0_i32, %c0_i32_0 : i32, i32
  }
  func.func @transform_6(%arg0: i32) -> (i32, i32, i32) {
    %c0_i32 = arith.constant 0 : i32
    %c0_i32_0 = arith.constant 0 : i32
    %c0_i32_1 = arith.constant 0 : i32
    return %c0_i32, %arg0, %c0_i32_0 : i32, i32, i32
  }
}

module attributes {stable_mosaic.version = 14 : i64} {
  func.func @_epi_body(%arg0: i32, %arg1: memref<400x128xf32, #tpu.memory_space<vmem>>, %arg2: memref<2x400x128xf32, #tpu.memory_space<vmem>>, %arg3: memref<2x400x128xf32, #tpu.memory_space<vmem>>, %arg4: memref<256xf32, #tpu.memory_space<vmem>>, %arg5: memref<400x256xf32, #tpu.memory_space<vmem>>) attributes {dimension_semantics = [#tpu.dimension_semantics<arbitrary>], iteration_bounds = array<i64: 25>, scalar_prefetch = 0 : i64, scratch_operands = 0 : i64, tpu.core_type = #tpu.core_type<tc>, window_params = [{transform_indices = @transform_0, window_bounds = array<i64: 400, 128>}, {transform_indices = @transform_1, window_bounds = array<i64: 2, 400, 128>}, {transform_indices = @transform_2, window_bounds = array<i64: 2, 400, 128>}, {pipeline_mode = #tpu.pipeline_mode<synchronous>, transform_indices = @transform_3, window_bounds = array<i64: 256>}, {transform_indices = @transform_4, window_bounds = array<i64: 400, 256>}]} {
    %get3A = arith.constant 0 : index
    %get3A_0 = arith.constant 0 : index
    %get3A_1 = vector.load %arg1[%get3A, %get3A_0] : memref<400x128xf32, #tpu.memory_space<vmem>>, vector<400x128xf32>
    %get3A_2 = arith.constant 0 : index
    %get3A_3 = vector.load %arg4[%get3A_2] : memref<256xf32, #tpu.memory_space<vmem>>, vector<256xf32>
    %get3A_4 = arith.constant 0 : index
    %get3A_5 = arith.constant 0 : index
    %get3A_6 = arith.constant 0 : index
    %get3A_7 = vector.load %arg2[%get3A_4, %get3A_5, %get3A_6] : memref<2x400x128xf32, #tpu.memory_space<vmem>>, vector<1x400x128xf32>
    %get3A_8 = vector.shape_cast %get3A_7 : vector<1x400x128xf32> to vector<400x128xf32>
    %get3A_9 = arith.constant 0 : index
    %get3A_10 = arith.constant 0 : index
    %get3A_11 = arith.constant 0 : index
    %get3A_12 = vector.load %arg3[%get3A_9, %get3A_10, %get3A_11] : memref<2x400x128xf32, #tpu.memory_space<vmem>>, vector<1x400x128xf32>
    %get3A_13 = vector.shape_cast %get3A_12 : vector<1x400x128xf32> to vector<400x128xf32>
    %add3A = arith.addf %get3A_8, %get3A_13 : vector<400x128xf32>
    %mul3A = arith.mulf %add3A, %get3A_1 : vector<400x128xf32>
    %slice3A = vector.extract_strided_slice %get3A_3 {offsets = [0], sizes = [128], strides = [1]} : vector<256xf32> to vector<128xf32>
    %broadcast_in_dim3A = vector.shape_cast %slice3A : vector<128xf32> to vector<1x128xf32>
    %add3A_14 = vector.broadcast %broadcast_in_dim3A : vector<1x128xf32> to vector<400x128xf32>
    %add3A_15 = arith.addf %mul3A, %add3A_14 : vector<400x128xf32>
    %swap3A = arith.constant 0 : index
    %swap3A_16 = arith.constant 0 : index
    %swap3A_17 = vector.load %arg5[%swap3A, %swap3A_16] : memref<400x256xf32, #tpu.memory_space<vmem>>, vector<400x128xf32>
    tpu.vector_store %arg5[%swap3A, %swap3A_16], %add3A_15 {strides = array<i32>} : memref<400x256xf32, #tpu.memory_space<vmem>>, vector<400x128xf32>,
    %get3A_18 = arith.constant 1 : index
    %get3A_19 = arith.constant 0 : index
    %get3A_20 = arith.constant 0 : index
    %get3A_21 = vector.load %arg2[%get3A_18, %get3A_19, %get3A_20] : memref<2x400x128xf32, #tpu.memory_space<vmem>>, vector<1x400x128xf32>
    %get3A_22 = vector.shape_cast %get3A_21 : vector<1x400x128xf32> to vector<400x128xf32>
    %get3A_23 = arith.constant 1 : index
    %get3A_24 = arith.constant 0 : index
    %get3A_25 = arith.constant 0 : index
    %get3A_26 = vector.load %arg3[%get3A_23, %get3A_24, %get3A_25] : memref<2x400x128xf32, #tpu.memory_space<vmem>>, vector<1x400x128xf32>
    %get3A_27 = vector.shape_cast %get3A_26 : vector<1x400x128xf32> to vector<400x128xf32>
    %add3A_28 = arith.addf %get3A_22, %get3A_27 : vector<400x128xf32>
    %mul3A_29 = arith.mulf %add3A_28, %get3A_1 : vector<400x128xf32>
    %slice3A_30 = vector.extract_strided_slice %get3A_3 {offsets = [128], sizes = [128], strides = [1]} : vector<256xf32> to vector<128xf32>
    %broadcast_in_dim3A_31 = vector.shape_cast %slice3A_30 : vector<128xf32> to vector<1x128xf32>
    %add3A_32 = vector.broadcast %broadcast_in_dim3A_31 : vector<1x128xf32> to vector<400x128xf32>
    %add3A_33 = arith.addf %mul3A_29, %add3A_32 : vector<400x128xf32>
    %swap3A_34 = arith.constant 0 : index
    %swap3A_35 = arith.constant 128 : index
    %swap3A_36 = vector.load %arg5[%swap3A_34, %swap3A_35] : memref<400x256xf32, #tpu.memory_space<vmem>>, vector<400x128xf32>
    tpu.vector_store %arg5[%swap3A_34, %swap3A_35], %add3A_33 {strides = array<i32>} : memref<400x256xf32, #tpu.memory_space<vmem>>, vector<400x128xf32>,
    return
  }
  func.func @transform_0(%arg0: i32) -> (i32, i32) {
    %c0_i32 = arith.constant 0 : i32
    %c0_i32_0 = arith.constant 0 : i32
    return %arg0, %c0_i32 : i32, i32
  }
  func.func @transform_1(%arg0: i32) -> (i32, i32, i32) {
    %c0_i32 = arith.constant 0 : i32
    %c0_i32_0 = arith.constant 0 : i32
    %c0_i32_1 = arith.constant 0 : i32
    return %c0_i32, %arg0, %c0_i32_0 : i32, i32, i32
  }
  func.func @transform_2(%arg0: i32) -> (i32, i32, i32) {
    %c0_i32 = arith.constant 0 : i32
    %c0_i32_0 = arith.constant 0 : i32
    %c0_i32_1 = arith.constant 0 : i32
    return %c0_i32, %arg0, %c0_i32_0 : i32, i32, i32
  }
  func.func @transform_3(%arg0: i32) -> i32 {
    %c0_i32 = arith.constant 0 : i32
    %c0_i32_0 = arith.constant 0 : i32
    return %c0_i32 : i32
  }
  func.func @transform_4(%arg0: i32) -> (i32, i32) {
    %c0_i32 = arith.constant 0 : i32
    %c0_i32_0 = arith.constant 0 : i32
    return %arg0, %c0_i32 : i32, i32
  }
}

</mosaic_0001>

<sc_bundles>
// kernel: kernel.11.cloned.1.call-start
scs
__scs_entry_jumppad:
0x0: {  	(pc) =	sbr.rel $0x88, $3  }
0x1: {  	(tag) =	ssettag $0x0;
	lr =	simm.s32 $0x1  }
0x2: {  	[smem:$0x3F9B] =	sst lr;
	_ =	strace $0xD0000000  }
0x3: {  	_ = 	snop  }
0x4: {  	_ = 	snop  }
0x5: {  	_ = 	snop  }
0x6: {  	_ = 	snop  }
0x7: {  	_ = 	snop  }
__scs_overlays_trampoline_lowered:
0x8: {  	[smem:$0x3FAA] =	sst s0  }
0x9: {  	[smem:$0x3FAB] =	sst s1  }
0xa: {  	[smem:$0x3FAC] =	sst s2  }
0xb: {  	[smem:$0x3FAD] =	sst s3  }
0xc: {  	[smem:$0x3FAE] =	sst s4  }
0xd: {  	[smem:$0x3FAF] =	sst s5  }
0xe: {  	[smem:$0x3FB0] =	sst s6  }
0xf: {  	[smem:$0x3FB1] =	sst s7  }
0x10: {  	[smem:$0x3FB2] =	sst s8  }
0x11: {  	[smem:$0x3FB3] =	sst s9;
	s0 =	simm.s32 @!p0 $0x0  }
0x12: {  	s1 =	sld [smem:$0x3F99];
	s0 =	simm.s32 @p0 $0x1  }
0x13: {  	[smem:$0x3FB4] =	sst s0;
	s0 =	simm.s32 @!p1 $0x0  }
0x14: {  	s2 =	sld [smem:$0x3F98];
	s0 =	simm.s32 @p1 $0x1  }
0x15: {  	[smem:$0x3FB5] =	sst s0;
	s0 =	simm.s32 @!p2 $0x0  }
0x16: {  	s3 =	sld [smem:$0x3FDB];
	s0 =	simm.s32 @p2 $0x1  }
0x17: {  	s4 =	simm.s32 $0x1BF5;
	[smem:$0x3FB7] =	sst s0  }
0x18: {  	s0 =	sld [smem:$0x3F9A];
	_ =	swait.ge [sflag:s4], $0x0  }
0x19: {  	s7 =	sld [smem:$0x3F9B]  }
0x1a: {  	s8 =	sadd.s32 $0xFFFFE003, lr  }
0x1b: {  	s9 =	sadd.s32 $0xFFFFFEF7, lr;
	s5 =	simm.s32 $0xFFFFFFFF;
	p2 =	slt.u32 s8, $0xFFFFF086  }
0x1c: {  	p1 =	slt.u32 s9, $0xF7A;
	s5 =	simm.s32 @!p2 $0x0  }
0x1d: {  	s5 =	simm.s32 @p1 $0x1;
	p0 =	seq.s32 s7, s2  }
0x1e: {  	s7 =	smul.u32 @!p0 $0xF7A, s2;
	p2 =	seq.s32 @!p0 s5, $0x0  }
0x1f: {  	s9 =	smul.u32 $0xF7A, s1;
	s8 =	simm.s32 @!p0 $0x1BF5;
	p2 =	por !p2, p0  }
0x20: {  	[sflag:s8] =	ssyncset.s32 @!p0 $0xFFFFF086;
	s6 =	sadd.s32 @!p0 s3, s7;
	s7 =	simm.s32 @!p0 $0x108  }
0x21: {  	s3 =	sadd.s32 s3, s9;
	s6 =	sadd.s32 @!p0 $0x88, s6;
	s7 =	simm.s32 @p2 $0x1082  }
0x22: {  	[simem:s7], [sflag:s8] =	dma.local @!p0 [hbm:s6], $0xF7A  }
0x23: {  	s9 =	sor.u32 $0xD0000000, s2;
	s6 =	simm.s32 $0x108;
	_ =	swait.ge @!p0 [sflag:s8], $0x0  }
0x24: {  	s3 =	sadd.s32 $0x88, s3;
	s6 =	simm.s32 @!p1 $0x1082;
	[sflag:s4] =	ssyncset.s32 $0xFFFFF086  }
0x25: {  	[simem:s6], [sflag:s4] =	dma.local [hbm:s3], $0xF7A  }
0x26: {  	[smem:$0x3F9B] =	sst s1;
	(tag) =	ssettag s2;
	_ =	strace s9  }
0x27: {  	s1 =	sld [smem:$0x3FAB]  }
0x28: {  	s2 =	sld [smem:$0x3FAC]  }
0x29: {  	s4 =	sld [smem:$0x3FAE]  }
0x2a: {  	p0 =	seq.s32 s5, $0x0;
	s5 =	sld [smem:$0x3FAF]  }
0x2b: {  	s6 =	sld [smem:$0x3FB0]  }
0x2c: {  	s7 =	sld [smem:$0x3FB1]  }
0x2d: {  	s3 =	simm.s32 $0x108;
	s8 =	sld [smem:$0x3FB2]  }
0x2e: {  	s3 =	simm.s32 @!p0 $0x1082;
	s9 =	sld [smem:$0x3FB3]  }
0x2f: {  	lr =	sadd.s32 s0, s3;
	s0 =	sld [smem:$0x3FAA]  }
0x30: {  	s3 =	sld [smem:$0x3FAD]  }
0x31: {  	[smem:$0x3FB6] =	sst s10  }
0x32: {  	s10 =	sld [smem:$0x3FB4];
	_ =	sdelay $0x3  }
0x33: {  	p0 =	seq.s32 s10, $0x1;
	s10 =	sld [smem:$0x3FB6];
	_ =	sdelay $0x3  }
0x34: {  	[smem:$0x3FB6] =	sst s10  }
0x35: {  	s10 =	sld [smem:$0x3FB5];
	_ =	sdelay $0x3  }
0x36: {  	p1 =	seq.s32 s10, $0x1;
	s10 =	sld [smem:$0x3FB6];
	_ =	sdelay $0x3  }
0x37: {  	[smem:$0x3FB6] =	sst s10  }
0x38: {  	s10 =	sld [smem:$0x3FB7]  }
0x39: {  	_ = 	snop;
	(pc) =	sbr.ind lr, $3  }
0x3a: {  	_ = 	snop  }
0x3b: {  	_ = 	snop  }
0x3c: {  	p2 =	seq.s32 s10, $0x1;
	s10 =	sld [smem:$0x3FB6]  }
0x3d: {  	_ =	shalt  }
0x3e: {  	_ =	shalt  }
0x3f: {  	_ =	shalt  }
0x40: {  	_ =	shalt  }
0x41: {  	_ =	shalt  }
0x42: {  	_ =	shalt  }
0x43: {  	_ =	shalt  }
0x44: {  	_ =	shalt  }
0x45: {  	_ =	shalt  }
0x46: {  	_ =	shalt  }
0x47: {  	_ =	shalt  }
0x48: {  	_ =	shalt  }
0x49: {  	_ =	shalt  }
0x4a: {  	_ =	shalt  }
0x4b: {  	_ =	shalt  }
0x4c: {  	_ =	shalt  }
0x4d: {  	_ =	shalt  }
0x4e: {  	_ =	shalt  }
0x4f: {  	_ =	shalt  }
0x50: {  	_ =	shalt  }
0x51: {  	_ =	shalt  }
0x52: {  	_ =	shalt  }
0x53: {  	_ =	shalt  }
0x54: {  	_ =	shalt  }
0x55: {  	_ =	shalt  }
0x56: {  	_ =	shalt  }
0x57: {  	_ =	shalt  }
0x58: {  	_ =	shalt  }
0x59: {  	_ =	shalt  }
0x5a: {  	_ =	shalt  }
0x5b: {  	_ =	shalt  }
0x5c: {  	_ =	shalt  }
0x5d: {  	_ =	shalt  }
0x5e: {  	_ =	shalt  }
0x5f: {  	_ =	shalt  }
0x60: {  	_ =	shalt  }
0x61: {  	_ =	shalt  }
0x62: {  	_ =	shalt  }
0x63: {  	_ =	shalt  }
0x64: {  	_ =	shalt  }
0x65: {  	_ =	shalt  }
0x66: {  	_ =	shalt  }
0x67: {  	_ =	shalt  }
0x68: {  	_ =	shalt  }
0x69: {  	_ =	shalt  }
0x6a: {  	_ =	shalt  }
0x6b: {  	_ =	shalt  }
0x6c: {  	_ =	shalt  }
0x6d: {  	_ =	shalt  }
0x6e: {  	_ =	shalt  }
0x6f: {  	_ =	shalt  }
0x70: {  	_ =	shalt  }
0x71: {  	_ =	shalt  }
0x72: {  	_ =	shalt  }
0x73: {  	_ =	shalt  }
0x74: {  	_ =	shalt  }
0x75: {  	_ =	shalt  }
0x76: {  	_ =	shalt  }
0x77: {  	_ =	shalt  }
0x78: {  	_ =	shalt  }
0x79: {  	_ =	shalt  }
0x7a: {  	_ =	shalt  }
0x7b: {  	_ =	shalt  }
0x7c: {  	_ =	shalt  }
0x7d: {  	_ =	shalt  }
0x7e: {  	_ =	shalt  }
0x7f: {  	_ =	shalt  }
0x80: {  	_ =	shalt  }
0x81: {  	_ =	shalt  }
0x82: {  	_ =	shalt  }
0x83: {  	_ =	shalt  }
0x84: {  	_ =	shalt  }
0x85: {  	_ =	shalt  }
0x86: {  	_ =	shalt  }
0x87: {  	_ =	shalt  }
.Lfunc_end0:
.L_simem_size_0:
called_computation.1_lowered:
.L_overlay_start_0:
0x88: {  	s2 =	sld [smem:$0x3FD9]  }
0x89: {  	s3 =	sld [smem:$0x3FFE];
	_ =	sdelay $0x1  }
0x8a: {  	s1 =	srdreg.scid  }
0x8b: {  	s0 =	sand.u32 $0x1, s1  }
0x8c: {  	s17 =	sshll.u32 s0, $0xA;
	s2 =	sadd.s32 s3, s2  }
0x8d: {  	s2 =	sadd.s32 s2, s17  }
0x8e: {  	[smem:$0x3FC2] =	sst s2  }
0x8f: {  	_ = 	snop  }
0x90: {  	s2 =	sld [smem:$0x3FD0];
	(tm) =	ssettm $0x1  }
0x91: {  	s18 =	sld [smem:$0x3FFB];
	_ =	sdelay $0x3  }
0x92: {  	_ =	strace s18  }
0x93: {  	s3 =	sld [smem:$0x3FFC];
	_ =	sdelay $0x3  }
0x94: {  	_ =	strace s3  }
0x95: {  	s3 =	sld [smem:$0x3FFD];
	_ =	sdelay $0x3  }
0x96: {  	_ =	strace s3  }
0x97: {  	_ =	strace $0x8FFFFFFF  }
0x98: {  	s19 =	sld [smem:$0x3FDB];
	_ =	sdelay $0x1  }
0x99: {  	s4 =	simm.s32 $_scs_section_size  }
0x9a: {  	s5 =	simm.s32 $_size__tile_overlayer_lowered;
	s6 =	simm.s32 $_tile_overlayer_lowered  }
0x9b: {  	s22 =	simm.s32 $0x1BFF;
	s21 =	sshll.u32 s6, $0x1;
	s3 =	sadd.s32 s4, s19  }
0x9c: {  	s7 =	simm.s32 $0x0;
	s20 =	sshll.u32 s5, $0x1;
	s5 =	sadd.s32 s21, s3  }
0x9d: {  	[timem:s7], [sflag:s22] =	dma.local [hbm:s5], s20  }
0x9e: {  	_ =	swait.ge [sflag:s22], s20  }
0x9f: {  	s4 =	ssub.s32 $0x0, s20;
	[sflag:s22] =	ssyncset.done $0x0  }
0xa0: {  	[sflag:s22] =	ssyncadd.s32 s4;
	_ =	sdelay $0x1  }
0xa1: {  	s23 =	simm.s32 $0x1B8B  }
0xa2: {  	_ =	swait.ge [sflag:s23], $0x1  }
0xa3: {  	[sflag:s23] =	ssyncset.done $0x0  }
0xa4: {  	s25 =	simm.s32 $0x1B8E;
	s24 =	sld [smem:$0x3FFE];
	[sflag:s23] =	ssyncadd.s32 $0xFFFFFFFF  }
0xa5: {  	s26 =	simm.s32 $execute0_lowered;
	[smem:$0x3FD2] =	sst s25  }
0xa6: {  	s5 =	sshll.u32 s26, $0x1;
	_ =	strace $0x80000049;
	[dreg:$0x1] =	wrdreg $0xFFFFFFFF  }
0xa7: {  	s28 =	simm.s32 $_size_execute0_lowered;
	s3 =	sadd.s32 s3, s5;
	[dreg:$0x0] =	wrdreg $0x0  }
0xa8: {  	s5 =	sshll.u32 s28, $0x1;
	[dreg:$0x2] =	wrdreg s3  }
0xa9: {  	[dreg:$0x3] =	wrdreg s5  }
0xaa: {  	[dreg:$0x4] =	wrdreg $0xC0  }
0xab: {  	_ =	task [dreg:s7], $0x5FFFF  }
0xac: {  	[dreg:$0x1] =	wrdreg $0xFFFFFFFF  }
0xad: {  	[dreg:$0x0] =	wrdreg $0x60  }
0xae: {  	[dreg:$0x2] =	wrdreg s2  }
0xaf: {  	[dreg:$0x3] =	wrdreg s24  }
0xb0: {  	[dreg:$0x4] =	wrdreg $0x0  }
0xb1: {  	[dreg:$0x5] =	wrdreg $0x9  }
0xb2: {  	_ =	task.clear_ibuf [dreg:s7], $0x6FFFF;
	_ =	strace $0x90000049  }
0xb3: {  	s29 =	simm.s32 $0x9;
	_ =	strace $0x8000004B  }
0xb4: {  	_ =	swait.ge [sflag:s29], $0x1  }
0xb5: {  	[sflag:s29] =	ssyncadd.s32 $0xFFFFFFFF  }
0xb6: {  	_ =	strace $0x9000004B  }
0xb7: {  	_ =	sfence  }
0xb8: {  	s30 =	sld [smem:$0x0];
	_ =	sdelay $0x2  }
0xb9: {  	s31 =	sshll.u32 s1, $0xD;
	s1 =	sshrl.u32 s1, $0x2  }
0xba: {  	s3 =	sand.u32 $0x4000, s31;
	s1 =	sadd.s32 s1, s30  }
0xbb: {  	s0 =	sor.u32 s3, s0;
	s1 =	sshll.u32 s1, $0x11  }
0xbc: {  	s0 =	sor.u32 s1, s0  }
0xbd: {  	s0 =	sadd.s32 $0x8F2B, s0  }
0xbe: {  	[sflag:s0] =	ssyncadd.remote.s32 $0x1  }
0xbf: {  	_ =	sfence.sel $0xFFFF  }
0xc0: {  	[dreg:$0x0] =	wrdreg $0xFFFFFFFF;
	(pc) =	sbr.abs _section_cstart, $3  }
0xc1: {  	[dreg:$0x1] =	wrdreg $0xFFFFFFFF  }
0xc2: {  	_ =	task.clear_ibuf [dreg:s7], $0x2FFFF;
	_ =	strace $0x9FFFFFFF  }
0xc3: {  	(tm) =	ssettm $0x7FFFFFFF  }
tec
execute0_lowered:
.L_overlay_start_1:
0x0: {  	(tag) =	ssettag $0x1  }
0x1: {  	s16 =	stileid.u32  }
0x2: {  	s0 =	srdreg.scid;
	s6 =	smul.u32 $0x2800, s16  }
0x3: {  	s1 =	rddreg [dreg:$0x0];
	s24 =	smul.u32 $0x2780, s16  }
0x4: {  	s5 =	rddreg [dreg:$0x1];
	s0 =	sand.u32 $0x1, s0;
	s10 =	smul.u32 $0x500, s16  }
0x5: {  	s3 =	rddreg [dreg:$0x2];
	s2 =	smul.u32 $0x28000, s0  }
0x6: {  	s4 =	simm.s32 $0x0;
	s9 =	sor.u32 $0x10, s16;
	s23 =	smul.u32 $0x27100, s0  }
0x7: {  	s28 =	simm.s32 $0x5;
	s19 =	sor.u32 $0x40, s16;
	s11 =	smul.u32 $0x500, s9  }
0x8: {  	s29 =	simm.s32 $0x160C0;
	s20 =	sor.u32 $0x50, s16;
	s14 =	smul.u32 $0x500, s19  }
0x9: {  	s30 =	simm.s32 $0x80;
	s21 =	sor.u32 $0x60, s16;
	s15 =	smul.u32 $0x500, s20  }
0xa: {  	s31 =	simm.s32 $0x161C0;
	s22 =	sor.u32 $0x70, s16;
	s26 =	smul.u32 $0x500, s21  }
0xb: {  	[smem:$0x7FF] =	sst s4;
	s7 =	sadd.s32 $0x6C00, s5;
	s18 =	smul.u32 $0x500, s22  }
0xc: {  	_ =	strace $0x8000004A;
	s0 =	ssub.s32 $0x2, s0;
	s9 =	smul.u32 $0xA000, s9  }
0xd: {  	p0 =	sgt.u32 s22, $0x7C;
	s8 =	sshrl.u32 s0, $0x1;
	s2 =	sadd.s32 s6, s2  }
0xe: {  	s0 =	ssub.s32 s0, s8;
	s8 =	sor.u32 $0x20, s16;
	s2 =	sshrl.u32 s2, $0x3  }
0xf: {  	s6 =	sshrl.u32 s24, $0x3;
	s2 =	sadd.s32 s2, s5;
	s5 =	sadd.s32 s23, s5  }
0x10: {  	s12 =	smul.u32 $0x500, s8;
	s2 =	sadd.s32 $0xBC00, s2;
	s5 =	sadd.s32 $0x15C00, s5  }
0x11: {  	[dreg:$0x4] =	wrdreg s2;
	s2 =	sor.u32 $0x30, s16;
	s10 =	sadd.s32 s5, s10  }
0x12: {  	s25 =	sadd.s32 s5, s11;
	s12 =	sadd.s32 s5, s12;
	s11 =	smul.u32 $0xA000, s19  }
0x13: {  	s23 =	sadd.s32 s5, s14;
	s24 =	sadd.s32 s5, s15;
	s13 =	smul.u32 $0x500, s2  }
0x14: {  	s14 =	sadd.s32 s7, s6;
	[dreg:$0x6] =	wrdreg s25;
	s25 =	smul.u32 $0x4F0, s16  }
0x15: {  	[dreg:$0x5] =	wrdreg s10;
	s10 =	sadd.s32 s5, s26;
	s26 =	smul.u32 $0xA000, s16  }
0x16: {  	s6 =	sshrl.u32 s9, $0x2;
	[dreg:$0x7] =	wrdreg s12;
	s2 =	smul.u32 $0xA000, s2  }
0x17: {  	s9 =	simm.s32 $0x0;
	[dreg:$0x9] =	wrdreg s23;
	s12 =	smul.u32 $0xA000, s20  }
0x18: {  	[dreg:$0xa] =	wrdreg s24;
	s15 =	sadd.s32 $0x10, s14;
	s24 =	smul.u32 $0xA000, s22  }
0x19: {  	s16 =	smax.u32 s0, $0x1;
	[dreg:$0xb] =	wrdreg s10;
	s10 =	smul.u32 $0xA000, s8  }
0x1a: {  	s23 =	sshrl.u32 s11, $0x2;
	s8 =	simm.s32 $0x4;
	s17 =	sadd.s32 s5, s13  }
0x1b: {  	s5 =	sadd.s32 s5, s18;
	s7 =	sadd.s32 s25, s7;
	s18 =	sadd.s32 s6, s3  }
0x1c: {  	s2 =	sshrl.u32 s2, $0x2;
	s13 =	smul.u32 $0xA000, s21;
	s21 =	sadd.s32 s23, s3  }
0x1d: {  	s25 =	sshrl.u32 s12, $0x2;
	s6 =	simm.s32 $0x3;
	[dreg:$0x8] =	wrdreg s17  }
0x1e: {  	[dreg:$0xc] =	wrdreg s5;
	s5 =	sshrl.u32 s26, $0x2;
	s0 =	sshrl.u32 s10, $0x2  }
.Ltmp0:
0x1f: {  	s20 =	sadd.s32 s2, s3;
	s22 =	sadd.s32 s25, s3;
	(pc) =	sbr.rel .LBB2_1-.Ltmp0, $4  }
0x20: {  	s26 =	sshrl.u32 s24, $0x2;
	s11 =	sadd.s32 $0x30, s7;
	s2 =	simm.s32 $0x1A1C0  }
0x21: {  	s7 =	simm.s32 $0x2;
	s17 =	sadd.s32 s5, s3;
	s19 =	sadd.s32 s0, s3  }
0x22: {  	s0 =	sshrl.u32 s13, $0x2;
	s24 =	sadd.s32 s26, s3;
	s26 =	simm.s32 $0x138C0  }
0x23: {  	v0 =	vimm.f32 $0.0e+00;
	s5 =	simm.s32 $0x1;
	s23 =	sadd.s32 s0, s3;
	s0 =	simm.s32 $0x16140  }
.LBB2_6:
0x24: {  	_ =	swait.ge [sflag:s5], $0x80  }
0x25: {  	[sflag:s5] =	ssyncset.done $0x0  }
0x26: {  	[sflag:s5] =	ssyncadd.s32 $0xFFFFFF80  }
0x27: {  	_ =	swait.ge [sflag:s6], $0x4000  }
0x28: {  	[sflag:s6] =	ssyncset.done $0x0  }
0x29: {  	[sflag:s6] =	ssyncadd.s32 $0xFFFFC000  }
0x2a: {  	[spmem:s3] =	stream.indirect.scatter.add.f32 [tilespmem:s31], [sflag:$0x5], $0x80, s29, s30, $0xb8;
	[tilespmem:$0x1E1C0] =	vst v63  }
0x2b: {  	_ =	swait.ge [sflag:s28], $0x4000  }
0x2c: {  	[sflag:s28] =	ssyncset.done $0x0  }
0x2d: {  	s10 =	stileid.u32;
	[sflag:s28] =	ssyncadd.s32 $0xFFFFC000  }
0x2e: {  	s10 =	sshll.u32 s10, $0x6;
	[bflag:$0x0] =	sbarrier.arrive $0xFFFF  }
0x2f: {  	s12 =	sshrl.u32 s17, $0x3;
	s10 =	sor.u32 $0x1C05, s10;
	s13 =	rddreg [dreg:$0x5]  }
0x30: {  	[hbm:s13], [sflag:s10] =	dma.local [spmem:s12], $0x500  }
0x31: {  	_ =	swait.ge [sflag:s28], $0x500  }
0x32: {  	[sflag:s28] =	ssyncset.done $0x0  }
0x33: {  	s13 =	sshrl.u32 s18, $0x3;
	s25 =	rddreg [dreg:$0x6];
	[sflag:s28] =	ssyncadd.s32 $0xFFFFFB00  }
0x34: {  	[hbm:s25], [sflag:s10] =	dma.local [spmem:s13], $0x500  }
0x35: {  	_ =	swait.ge [sflag:s28], $0x500  }
0x36: {  	[sflag:s28] =	ssyncset.done $0x0  }
0x37: {  	s13 =	sshrl.u32 s19, $0x3;
	s25 =	rddreg [dreg:$0x7];
	[sflag:s28] =	ssyncadd.s32 $0xFFFFFB00  }
0x38: {  	[hbm:s25], [sflag:s10] =	dma.local [spmem:s13], $0x500  }
0x39: {  	_ =	swait.ge [sflag:s28], $0x500  }
0x3a: {  	[sflag:s28] =	ssyncset.done $0x0  }
0x3b: {  	s13 =	sshrl.u32 s20, $0x3;
	s25 =	rddreg [dreg:$0x8];
	[sflag:s28] =	ssyncadd.s32 $0xFFFFFB00  }
0x3c: {  	[hbm:s25], [sflag:s10] =	dma.local [spmem:s13], $0x500  }
0x3d: {  	_ =	swait.ge [sflag:s28], $0x500  }
0x3e: {  	[sflag:s28] =	ssyncset.done $0x0  }
0x3f: {  	s13 =	sshrl.u32 s21, $0x3;
	s25 =	rddreg [dreg:$0x9];
	[sflag:s28] =	ssyncadd.s32 $0xFFFFFB00  }
0x40: {  	[hbm:s25], [sflag:s10] =	dma.local [spmem:s13], $0x500  }
0x41: {  	_ =	swait.ge [sflag:s28], $0x500  }
0x42: {  	[sflag:s28] =	ssyncset.done $0x0  }
0x43: {  	s13 =	sshrl.u32 s22, $0x3;
	s25 =	rddreg [dreg:$0xa];
	[sflag:s28] =	ssyncadd.s32 $0xFFFFFB00  }
0x44: {  	[hbm:s25], [sflag:s10] =	dma.local [spmem:s13], $0x500  }
0x45: {  	_ =	swait.ge [sflag:s28], $0x500  }
0x46: {  	[sflag:s28] =	ssyncset.done $0x0  }
0x47: {  	s13 =	sshrl.u32 s23, $0x3;
	s25 =	rddreg [dreg:$0xb];
	[sflag:s28] =	ssyncadd.s32 $0xFFFFFB00  }
0x48: {  	[hbm:s25], [sflag:s10] =	dma.local [spmem:s13], $0x500  }
0x49: {  	s9 =	sadd.s32 $0x1, s9;
	_ =	swait.ge [sflag:s28], $0x500  }
0x4a: {  	p1 =	sne.s32 s9, s16;
	[sflag:s28] =	ssyncset.done $0x0  }
0x4b: {  	s12 =	sshrl.u32 @!p0 s24, $0x3;
	s13 =	rddreg [dreg:$0xc];
	[sflag:s28] =	ssyncadd.s32 $0xFFFFFB00  }
0x4c: {  	[hbm:s13], [sflag:s10] =	dma.local @!p0 [spmem:s12], $0x500  }
.Ltmp1:
0x4d: {  	_ = 	snop;
	(pc) =	sbr.rel @!p1 .LBB2_7-.Ltmp1, $4  }
0x4e: {  	s10 =	simm.s32 @!p0 $0x5  }
0x4f: {  	_ =	swait.ge @!p0 [sflag:s10], $0x500  }
0x50: {  	[sflag:s10] =	ssyncset.done @!p0 $0x0  }
0x51: {  	[sflag:s10] =	ssyncadd.s32 @!p0 $0xFFFFFB00  }
.LBB2_1:
0x52: {  	s10 =	rddreg [dreg:$0x4]  }
0x53: {  	[tilespmem:s26], [sflag:$0x5] =	stream.linear.gather [hbm4b:s10+s4], $0x2780, $0x38;
	[tilespmem:$0x1E1C0] =	vst v63  }
0x54: {  	_ =	swait.ge [sflag:s28], $0x2780  }
0x55: {  	[sflag:s28] =	ssyncset.done $0x0  }
0x56: {  	[sflag:s28] =	ssyncadd.s32 $0xFFFFD880  }
0x57: {  	[tilespmem:s29], [sflag:$0x1] =	stream.linear.gather [hbm4b:s14+s4], $0x80, $0x38;
	[tilespmem:$0x1E1C0] =	vst v63  }
0x58: {  	s25 =	simm.s32 $0x200;
	s10 =	simm.s32 $0x0  }
0x59: {  	[tilespmem:s31], [sflag:$0x3] =	stream.indirect.gather [hbm4b:s1+s30], $0x80, s26, s30, $0xb8;
	[tilespmem:$0x1E1C0] =	vst v63  }
.LBB2_2:
0x5a: {  	p1 =	sne.s32 s25, $0x9E00;
	[tilespmem:s10+$0x1A230] =	vst v0  }
0x5b: {  	[tilespmem:s10+$0x1A1C0] =	vst v0  }
0x5c: {  	[tilespmem:s10+$0x1A1D0] =	vst v0  }
.Ltmp2:
0x5d: {  	[tilespmem:s10+$0x1A1E0] =	vst v0;
	(pc) =	sbr.rel @p1 .LBB2_2-.Ltmp2, $4  }
0x5e: {  	[tilespmem:s10+$0x1A1F0] =	vst v0  }
0x5f: {  	[tilespmem:s10+$0x1A200] =	vst v0  }
0x60: {  	[tilespmem:s10+$0x1A210] =	vst v0  }
0x61: {  	[tilespmem:s10+$0x1A220] =	vst v0;
	s10 =	sshra.s32 s25, $0x2;
	s25 =	sadd.s32 $0x200, s25  }
0x62: {  	[tilespmem:s10+$0x1A230] =	vst v0  }
0x63: {  	[tilespmem:s10+$0x1A1C0] =	vst v0  }
0x64: {  	[tilespmem:s10+$0x1A1D0] =	vst v0  }
0x65: {  	[tilespmem:s10+$0x1A1E0] =	vst v0  }
0x66: {  	[tilespmem:s10+$0x1A1F0] =	vst v0  }
0x67: {  	[tilespmem:s10+$0x1A200] =	vst v0  }
0x68: {  	[tilespmem:s10+$0x1A210] =	vst v0  }
0x69: {  	[tilespmem:s10+$0x1A220] =	vst v0  }
0x6a: {  	[spmem:s17] =	stream.linear.scatter [tilespmem:s2], [sflag:$0x5], $0x2800, $0x38;
	[tilespmem:$0x1E1C0] =	vst v63  }
0x6b: {  	_ =	swait.ge [sflag:s28], $0x2800  }
0x6c: {  	[sflag:s28] =	ssyncset.done $0x0  }
0x6d: {  	[sflag:s28] =	ssyncadd.s32 $0xFFFFD800  }
0x6e: {  	[spmem:s18] =	stream.linear.scatter [tilespmem:s2], [sflag:$0x5], $0x2800, $0x38;
	[tilespmem:$0x1E1C0] =	vst v63  }
0x6f: {  	_ =	swait.ge [sflag:s28], $0x2800  }
0x70: {  	[sflag:s28] =	ssyncset.done $0x0  }
0x71: {  	[sflag:s28] =	ssyncadd.s32 $0xFFFFD800  }
0x72: {  	[spmem:s19] =	stream.linear.scatter [tilespmem:s2], [sflag:$0x5], $0x2800, $0x38;
	[tilespmem:$0x1E1C0] =	vst v63  }
0x73: {  	_ =	swait.ge [sflag:s28], $0x2800  }
0x74: {  	[sflag:s28] =	ssyncset.done $0x0  }
0x75: {  	[sflag:s28] =	ssyncadd.s32 $0xFFFFD800  }
0x76: {  	[spmem:s20] =	stream.linear.scatter [tilespmem:s2], [sflag:$0x5], $0x2800, $0x38;
	[tilespmem:$0x1E1C0] =	vst v63  }
0x77: {  	_ =	swait.ge [sflag:s28], $0x2800  }
0x78: {  	[sflag:s28] =	ssyncset.done $0x0  }
0x79: {  	[sflag:s28] =	ssyncadd.s32 $0xFFFFD800  }
0x7a: {  	[spmem:s21] =	stream.linear.scatter [tilespmem:s2], [sflag:$0x5], $0x2800, $0x38;
	[tilespmem:$0x1E1C0] =	vst v63  }
0x7b: {  	_ =	swait.ge [sflag:s28], $0x2800  }
0x7c: {  	[sflag:s28] =	ssyncset.done $0x0  }
0x7d: {  	[sflag:s28] =	ssyncadd.s32 $0xFFFFD800  }
0x7e: {  	[spmem:s22] =	stream.linear.scatter [tilespmem:s2], [sflag:$0x5], $0x2800, $0x38;
	[tilespmem:$0x1E1C0] =	vst v63  }
0x7f: {  	_ =	swait.ge [sflag:s28], $0x2800  }
0x80: {  	[sflag:s28] =	ssyncset.done $0x0  }
0x81: {  	[sflag:s28] =	ssyncadd.s32 $0xFFFFD800  }
0x82: {  	[spmem:s23] =	stream.linear.scatter [tilespmem:s2], [sflag:$0x5], $0x2800, $0x38;
	[tilespmem:$0x1E1C0] =	vst v63  }
0x83: {  	_ =	swait.ge [sflag:s28], $0x2800  }
0x84: {  	[sflag:s28] =	ssyncset.done $0x0  }
0x85: {  	s10 =	simm.s32 @!p0 $0x1A1C0;
	[sflag:s28] =	ssyncadd.s32 $0xFFFFD800  }
0x86: {  	[spmem:s24] =	stream.linear.scatter @!p0 [tilespmem:s10], [sflag:$0x5], $0x2800, $0x38;
	[tilespmem:$0x1E1C0] =	vst v63  }
0x87: {  	s10 =	simm.s32 @!p0 $0x5  }
0x88: {  	_ =	swait.ge @!p0 [sflag:s10], $0x2800  }
0x89: {  	[sflag:s10] =	ssyncset.done @!p0 $0x0  }
0x8a: {  	[sflag:s10] =	ssyncadd.s32 @!p0 $0xFFFFD800  }
0x8b: {  	[bflag:$0x0] =	sbarrier.arrive $0xFFFF  }
0x8c: {  	[tilespmem:s0], [sflag:$0x2] =	stream.linear.gather [hbm4b:s15+s4], $0x80, $0x38;
	[tilespmem:$0x1E1C0] =	vst v63  }
0x8d: {  	s25 =	simm.s32 $0x13940  }
0x8e: {  	[tilespmem:s2], [sflag:$0x4] =	stream.indirect.gather [hbm4b:s1+s30], $0x80, s25, s30, $0xb8;
	[tilespmem:$0x1E1C0] =	vst v63  }
0x8f: {  	s10 =	simm.s32 $0xFFFF6800;
	s25 =	smov.u32 s11  }
.LBB2_4:
0x90: {  	_ =	swait.ge [sflag:s5], $0x80  }
0x91: {  	[sflag:s5] =	ssyncset.done $0x0  }
0x92: {  	[sflag:s5] =	ssyncadd.s32 $0xFFFFFF80  }
0x93: {  	_ =	swait.ge [sflag:s6], $0x4000  }
0x94: {  	[sflag:s6] =	ssyncset.done $0x0  }
0x95: {  	[sflag:s6] =	ssyncadd.s32 $0xFFFFC000  }
0x96: {  	[spmem:s3] =	stream.indirect.scatter.add.f32 [tilespmem:s31], [sflag:$0x5], $0x80, s29, s30, $0xb8;
	[tilespmem:$0x1E1C0] =	vst v63  }
0x97: {  	_ =	swait.ge [sflag:s28], $0x4000  }
0x98: {  	[sflag:s28] =	ssyncset.done $0x0  }
0x99: {  	s12 =	sadd.s32 $0xFFFFFFF0, s25;
	[sflag:s28] =	ssyncadd.s32 $0xFFFFC000  }
0x9a: {  	[tilespmem:s29], [sflag:$0x1] =	stream.linear.gather [hbm4b:s12+s4], $0x80, $0x38;
	[tilespmem:$0x1E1C0] =	vst v63  }
0x9b: {  	s12 =	sshra.s32 s10, $0x2  }
0x9c: {  	s13 =	sadd.s32 $0x15FC0, s12  }
0x9d: {  	[tilespmem:s31], [sflag:$0x3] =	stream.indirect.gather [hbm4b:s1+s30], $0x80, s13, s30, $0xb8;
	[tilespmem:$0x1E1C0] =	vst v63  }
0x9e: {  	_ =	swait.ge [sflag:s7], $0x80  }
0x9f: {  	[sflag:s7] =	ssyncset.done $0x0  }
0xa0: {  	[sflag:s7] =	ssyncadd.s32 $0xFFFFFF80  }
0xa1: {  	_ =	swait.ge [sflag:s8], $0x4000  }
0xa2: {  	p1 =	seq.s32 s10, $0x0;
	[sflag:s8] =	ssyncset.done $0x0  }
.Ltmp3:
0xa3: {  	[sflag:s8] =	ssyncadd.s32 $0xFFFFC000;
	(pc) =	sbr.rel @p1 .LBB2_6-.Ltmp3, $4  }
0xa4: {  	[spmem:s3] =	stream.indirect.scatter.add.f32 [tilespmem:s2], [sflag:$0x5], $0x80, s0, s30, $0xb8;
	[tilespmem:$0x1E1C0] =	vst v63  }
0xa5: {  	_ =	swait.ge [sflag:s28], $0x4000  }
0xa6: {  	[sflag:s28] =	ssyncset.done $0x0  }
0xa7: {  	[sflag:s28] =	ssyncadd.s32 $0xFFFFC000  }
.Ltmp4:
0xa8: {  	(pc) =	sbr.rel .LBB2_4-.Ltmp4, $4  }
0xa9: {  	_ = 	snop  }
0xaa: {  	[tilespmem:s0], [sflag:$0x2] =	stream.linear.gather [hbm4b:s25+s4], $0x80, $0x38;
	[tilespmem:$0x1E1C0] =	vst v63  }
0xab: {  	s12 =	sadd.s32 $0x16040, s12;
	s10 =	sadd.s32 $0x400, s10;
	s25 =	sadd.s32 $0x20, s25  }
0xac: {  	[tilespmem:s2], [sflag:$0x4] =	stream.indirect.gather [hbm4b:s1+s30], $0x80, s12, s30, $0xb8;
	[tilespmem:$0x1E1C0] =	vst v63  }
.LBB2_7:
0xad: {  	_ =	sfence.sel $0x180000  }
0xae: {  	[bflag:$0x0] =	sbarrier.arrive $0xFFFF  }
0xaf: {  	_ =	strace $0x9000004A  }
0xb0: {  	s0 =	stileid.u32;
	[bflag:$0x2] =	sbarrier.arrive $0xFFFF  }
0xb1: {  	p0 =	sne.s32 s0, $0x0;
	s0 =	rddreg [dreg:$0x3]  }
0xb2: {  	s0 =	sadd.s32 @!p0 $0x100000, s0  }
0xb3: {  	[sflag:s0] =	ssyncadd.tile.s32 @!p0 $0x1;
	_ =	shalt  }
.Lfunc_end2:
_tile_overlayer_lowered:
.L_overlay_start_2:
0xb4: {  	(tag) =	ssettag $0x2  }
0xb5: {  	s0 =	rddreg [dreg:$0x0];
	s2 =	stileid.u32  }
0xb6: {  	s1 =	rddreg [dreg:$0x1];
	p0 =	sne.s32 s2, $0x0  }
0xb7: {  	s3 =	rddreg [dreg:$0x2];
	[bflag:$0x3] =	sbarrier.arrive $0xFFFF;
	s2 =	simm.s32 @!p0 $0x1C05  }
0xb8: {  	[timem:s3], [sflag:s2] =	dma.local @!p0 [hbm:s0], s1  }
0xb9: {  	s0 =	simm.s32 @!p0 $0x5  }
0xba: {  	_ =	swait.ge @!p0 [sflag:s0], s1  }
0xbb: {  	s1 =	ssub.s32 @!p0 $0x0, s1;
	[sflag:s0] =	ssyncset.done @!p0 $0x0  }
0xbc: {  	[sflag:s0] =	ssyncadd.s32 @!p0 s1  }
0xbd: {  	[bflag:$0x3] =	sbarrier.arrive $0xFFFF  }
0xbe: {  	_ =	shalt  }

// kernel: kernel.14.cloned.1.call-start
scs
__scs_entry_jumppad:
0x0: {  	(pc) =	sbr.rel $0x88, $3  }
0x1: {  	(tag) =	ssettag $0x0;
	lr =	simm.s32 $0x1  }
0x2: {  	[smem:$0x3F9B] =	sst lr;
	_ =	strace $0xD0000000  }
0x3: {  	_ = 	snop  }
0x4: {  	_ = 	snop  }
0x5: {  	_ = 	snop  }
0x6: {  	_ = 	snop  }
0x7: {  	_ = 	snop  }
__scs_overlays_trampoline_lowered:
0x8: {  	[smem:$0x3FAA] =	sst s0  }
0x9: {  	[smem:$0x3FAB] =	sst s1  }
0xa: {  	[smem:$0x3FAC] =	sst s2  }
0xb: {  	[smem:$0x3FAD] =	sst s3  }
0xc: {  	[smem:$0x3FAE] =	sst s4  }
0xd: {  	[smem:$0x3FAF] =	sst s5  }
0xe: {  	[smem:$0x3FB0] =	sst s6  }
0xf: {  	[smem:$0x3FB1] =	sst s7  }
0x10: {  	[smem:$0x3FB2] =	sst s8  }
0x11: {  	[smem:$0x3FB3] =	sst s9;
	s0 =	simm.s32 @!p0 $0x0  }
0x12: {  	s1 =	sld [smem:$0x3F99];
	s0 =	simm.s32 @p0 $0x1  }
0x13: {  	[smem:$0x3FB4] =	sst s0;
	s0 =	simm.s32 @!p1 $0x0  }
0x14: {  	s2 =	sld [smem:$0x3F98];
	s0 =	simm.s32 @p1 $0x1  }
0x15: {  	[smem:$0x3FB5] =	sst s0;
	s0 =	simm.s32 @!p2 $0x0  }
0x16: {  	s3 =	sld [smem:$0x3FDB];
	s0 =	simm.s32 @p2 $0x1  }
0x17: {  	s4 =	simm.s32 $0x1BF5;
	[smem:$0x3FB7] =	sst s0  }
0x18: {  	s0 =	sld [smem:$0x3F9A];
	_ =	swait.ge [sflag:s4], $0x0  }
0x19: {  	s7 =	sld [smem:$0x3F9B]  }
0x1a: {  	s8 =	sadd.s32 $0xFFFFE003, lr  }
0x1b: {  	s9 =	sadd.s32 $0xFFFFFEF7, lr;
	s5 =	simm.s32 $0xFFFFFFFF;
	p2 =	slt.u32 s8, $0xFFFFF086  }
0x1c: {  	p1 =	slt.u32 s9, $0xF7A;
	s5 =	simm.s32 @!p2 $0x0  }
0x1d: {  	s5 =	simm.s32 @p1 $0x1;
	p0 =	seq.s32 s7, s2  }
0x1e: {  	s7 =	smul.u32 @!p0 $0xF7A, s2;
	p2 =	seq.s32 @!p0 s5, $0x0  }
0x1f: {  	s9 =	smul.u32 $0xF7A, s1;
	s8 =	simm.s32 @!p0 $0x1BF5;
	p2 =	por !p2, p0  }
0x20: {  	[sflag:s8] =	ssyncset.s32 @!p0 $0xFFFFF086;
	s6 =	sadd.s32 @!p0 s3, s7;
	s7 =	simm.s32 @!p0 $0x108  }
0x21: {  	s3 =	sadd.s32 s3, s9;
	s6 =	sadd.s32 @!p0 $0x88, s6;
	s7 =	simm.s32 @p2 $0x1082  }
0x22: {  	[simem:s7], [sflag:s8] =	dma.local @!p0 [hbm:s6], $0xF7A  }
0x23: {  	s9 =	sor.u32 $0xD0000000, s2;
	s6 =	simm.s32 $0x108;
	_ =	swait.ge @!p0 [sflag:s8], $0x0  }
0x24: {  	s3 =	sadd.s32 $0x88, s3;
	s6 =	simm.s32 @!p1 $0x1082;
	[sflag:s4] =	ssyncset.s32 $0xFFFFF086  }
0x25: {  	[simem:s6], [sflag:s4] =	dma.local [hbm:s3], $0xF7A  }
0x26: {  	[smem:$0x3F9B] =	sst s1;
	(tag) =	ssettag s2;
	_ =	strace s9  }
0x27: {  	s1 =	sld [smem:$0x3FAB]  }
0x28: {  	s2 =	sld [smem:$0x3FAC]  }
0x29: {  	s4 =	sld [smem:$0x3FAE]  }
0x2a: {  	p0 =	seq.s32 s5, $0x0;
	s5 =	sld [smem:$0x3FAF]  }
0x2b: {  	s6 =	sld [smem:$0x3FB0]  }
0x2c: {  	s7 =	sld [smem:$0x3FB1]  }
0x2d: {  	s3 =	simm.s32 $0x108;
	s8 =	sld [smem:$0x3FB2]  }
0x2e: {  	s3 =	simm.s32 @!p0 $0x1082;
	s9 =	sld [smem:$0x3FB3]  }
0x2f: {  	lr =	sadd.s32 s0, s3;
	s0 =	sld [smem:$0x3FAA]  }
0x30: {  	s3 =	sld [smem:$0x3FAD]  }
0x31: {  	[smem:$0x3FB6] =	sst s10  }
0x32: {  	s10 =	sld [smem:$0x3FB4];
	_ =	sdelay $0x3  }
0x33: {  	p0 =	seq.s32 s10, $0x1;
	s10 =	sld [smem:$0x3FB6];
	_ =	sdelay $0x3  }
0x34: {  	[smem:$0x3FB6] =	sst s10  }
0x35: {  	s10 =	sld [smem:$0x3FB5];
	_ =	sdelay $0x3  }
0x36: {  	p1 =	seq.s32 s10, $0x1;
	s10 =	sld [smem:$0x3FB6];
	_ =	sdelay $0x3  }
0x37: {  	[smem:$0x3FB6] =	sst s10  }
0x38: {  	s10 =	sld [smem:$0x3FB7]  }
0x39: {  	_ = 	snop;
	(pc) =	sbr.ind lr, $3  }
0x3a: {  	_ = 	snop  }
0x3b: {  	_ = 	snop  }
0x3c: {  	p2 =	seq.s32 s10, $0x1;
	s10 =	sld [smem:$0x3FB6]  }
0x3d: {  	_ =	shalt  }
0x3e: {  	_ =	shalt  }
0x3f: {  	_ =	shalt  }
0x40: {  	_ =	shalt  }
0x41: {  	_ =	shalt  }
0x42: {  	_ =	shalt  }
0x43: {  	_ =	shalt  }
0x44: {  	_ =	shalt  }
0x45: {  	_ =	shalt  }
0x46: {  	_ =	shalt  }
0x47: {  	_ =	shalt  }
0x48: {  	_ =	shalt  }
0x49: {  	_ =	shalt  }
0x4a: {  	_ =	shalt  }
0x4b: {  	_ =	shalt  }
0x4c: {  	_ =	shalt  }
0x4d: {  	_ =	shalt  }
0x4e: {  	_ =	shalt  }
0x4f: {  	_ =	shalt  }
0x50: {  	_ =	shalt  }
0x51: {  	_ =	shalt  }
0x52: {  	_ =	shalt  }
0x53: {  	_ =	shalt  }
0x54: {  	_ =	shalt  }
0x55: {  	_ =	shalt  }
0x56: {  	_ =	shalt  }
0x57: {  	_ =	shalt  }
0x58: {  	_ =	shalt  }
0x59: {  	_ =	shalt  }
0x5a: {  	_ =	shalt  }
0x5b: {  	_ =	shalt  }
0x5c: {  	_ =	shalt  }
0x5d: {  	_ =	shalt  }
0x5e: {  	_ =	shalt  }
0x5f: {  	_ =	shalt  }
0x60: {  	_ =	shalt  }
0x61: {  	_ =	shalt  }
0x62: {  	_ =	shalt  }
0x63: {  	_ =	shalt  }
0x64: {  	_ =	shalt  }
0x65: {  	_ =	shalt  }
0x66: {  	_ =	shalt  }
0x67: {  	_ =	shalt  }
0x68: {  	_ =	shalt  }
0x69: {  	_ =	shalt  }
0x6a: {  	_ =	shalt  }
0x6b: {  	_ =	shalt  }
0x6c: {  	_ =	shalt  }
0x6d: {  	_ =	shalt  }
0x6e: {  	_ =	shalt  }
0x6f: {  	_ =	shalt  }
0x70: {  	_ =	shalt  }
0x71: {  	_ =	shalt  }
0x72: {  	_ =	shalt  }
0x73: {  	_ =	shalt  }
0x74: {  	_ =	shalt  }
0x75: {  	_ =	shalt  }
0x76: {  	_ =	shalt  }
0x77: {  	_ =	shalt  }
0x78: {  	_ =	shalt  }
0x79: {  	_ =	shalt  }
0x7a: {  	_ =	shalt  }
0x7b: {  	_ =	shalt  }
0x7c: {  	_ =	shalt  }
0x7d: {  	_ =	shalt  }
0x7e: {  	_ =	shalt  }
0x7f: {  	_ =	shalt  }
0x80: {  	_ =	shalt  }
0x81: {  	_ =	shalt  }
0x82: {  	_ =	shalt  }
0x83: {  	_ =	shalt  }
0x84: {  	_ =	shalt  }
0x85: {  	_ =	shalt  }
0x86: {  	_ =	shalt  }
0x87: {  	_ =	shalt  }
.Lfunc_end0:
.L_simem_size_0:
called_computation.2_lowered:
.L_overlay_start_0:
0x88: {  	s2 =	sld [smem:$0x3FD9]  }
0x89: {  	s3 =	sld [smem:$0x3FFE];
	_ =	sdelay $0x1  }
0x8a: {  	s1 =	srdreg.scid  }
0x8b: {  	s0 =	sand.u32 $0x1, s1  }
0x8c: {  	s17 =	sshll.u32 s0, $0xA;
	s2 =	sadd.s32 s3, s2  }
0x8d: {  	s2 =	sadd.s32 s2, s17  }
0x8e: {  	[smem:$0x3FC2] =	sst s2  }
0x8f: {  	_ = 	snop  }
0x90: {  	s2 =	sld [smem:$0x3FD0];
	(tm) =	ssettm $0x1  }
0x91: {  	s18 =	sld [smem:$0x3FFB];
	_ =	sdelay $0x3  }
0x92: {  	_ =	strace s18  }
0x93: {  	s3 =	sld [smem:$0x3FFC];
	_ =	sdelay $0x3  }
0x94: {  	_ =	strace s3  }
0x95: {  	s3 =	sld [smem:$0x3FFD];
	_ =	sdelay $0x3  }
0x96: {  	_ =	strace s3  }
0x97: {  	_ =	strace $0x8FFFFFFF  }
0x98: {  	s19 =	sld [smem:$0x3FDB];
	_ =	sdelay $0x1  }
0x99: {  	s4 =	simm.s32 $_scs_section_size  }
0x9a: {  	s5 =	simm.s32 $_size__tile_overlayer_lowered;
	s6 =	simm.s32 $_tile_overlayer_lowered  }
0x9b: {  	s22 =	simm.s32 $0x1BFF;
	s21 =	sshll.u32 s6, $0x1;
	s3 =	sadd.s32 s4, s19  }
0x9c: {  	s7 =	simm.s32 $0x0;
	s20 =	sshll.u32 s5, $0x1;
	s5 =	sadd.s32 s21, s3  }
0x9d: {  	[timem:s7], [sflag:s22] =	dma.local [hbm:s5], s20  }
0x9e: {  	_ =	swait.ge [sflag:s22], s20  }
0x9f: {  	s4 =	ssub.s32 $0x0, s20;
	[sflag:s22] =	ssyncset.done $0x0  }
0xa0: {  	[sflag:s22] =	ssyncadd.s32 s4;
	_ =	sdelay $0x1  }
0xa1: {  	s23 =	simm.s32 $0x1B8B  }
0xa2: {  	_ =	swait.ge [sflag:s23], $0x1  }
0xa3: {  	[sflag:s23] =	ssyncset.done $0x0  }
0xa4: {  	s25 =	simm.s32 $0x1B8E;
	s24 =	sld [smem:$0x3FFE];
	[sflag:s23] =	ssyncadd.s32 $0xFFFFFFFF  }
0xa5: {  	s26 =	simm.s32 $execute0_lowered;
	[smem:$0x3FD2] =	sst s25  }
0xa6: {  	s5 =	sshll.u32 s26, $0x1;
	_ =	strace $0x8000004C;
	[dreg:$0x1] =	wrdreg $0xFFFFFFFF  }
0xa7: {  	s28 =	simm.s32 $_size_execute0_lowered;
	s3 =	sadd.s32 s3, s5;
	[dreg:$0x0] =	wrdreg $0x0  }
0xa8: {  	s5 =	sshll.u32 s28, $0x1;
	[dreg:$0x2] =	wrdreg s3  }
0xa9: {  	[dreg:$0x3] =	wrdreg s5  }
0xaa: {  	[dreg:$0x4] =	wrdreg $0xC0  }
0xab: {  	_ =	task [dreg:s7], $0x5FFFF  }
0xac: {  	[dreg:$0x1] =	wrdreg $0xFFFFFFFF  }
0xad: {  	[dreg:$0x0] =	wrdreg $0x60  }
0xae: {  	[dreg:$0x2] =	wrdreg s24  }
0xaf: {  	[dreg:$0x3] =	wrdreg s2  }
0xb0: {  	[dreg:$0x4] =	wrdreg $0x0  }
0xb1: {  	[dreg:$0x5] =	wrdreg $0x9  }
0xb2: {  	_ =	task.clear_ibuf [dreg:s7], $0x6FFFF;
	_ =	strace $0x9000004C  }
0xb3: {  	s29 =	simm.s32 $0x9;
	_ =	strace $0x8000004E  }
0xb4: {  	_ =	swait.ge [sflag:s29], $0x1  }
0xb5: {  	[sflag:s29] =	ssyncadd.s32 $0xFFFFFFFF  }
0xb6: {  	_ =	strace $0x9000004E  }
0xb7: {  	_ =	sfence  }
0xb8: {  	s30 =	sld [smem:$0x0];
	_ =	sdelay $0x2  }
0xb9: {  	s31 =	sshll.u32 s1, $0xD;
	s1 =	sshrl.u32 s1, $0x2  }
0xba: {  	s3 =	sand.u32 $0x4000, s31;
	s1 =	sadd.s32 s1, s30  }
0xbb: {  	s0 =	sor.u32 s3, s0;
	s1 =	sshll.u32 s1, $0x11  }
0xbc: {  	s0 =	sor.u32 s1, s0  }
0xbd: {  	s0 =	sadd.s32 $0x8F2B, s0  }
0xbe: {  	[sflag:s0] =	ssyncadd.remote.s32 $0x1  }
0xbf: {  	_ =	sfence.sel $0xFFFF  }
0xc0: {  	[dreg:$0x0] =	wrdreg $0xFFFFFFFF;
	(pc) =	sbr.abs _section_cstart, $3  }
0xc1: {  	[dreg:$0x1] =	wrdreg $0xFFFFFFFF  }
0xc2: {  	_ =	task.clear_ibuf [dreg:s7], $0x2FFFF;
	_ =	strace $0x9FFFFFFF  }
0xc3: {  	(tm) =	ssettm $0x7FFFFFFF  }
tec
execute0_lowered:
.L_overlay_start_1:
0x0: {  	(tag) =	ssettag $0x1  }
0x1: {  	s0 =	rddreg [dreg:$0x0]  }
0x2: {  	s1 =	srdreg.scid;
	s17 =	stileid.u32  }
0x3: {  	s5 =	rddreg [dreg:$0x1];
	s6 =	smul.u32 $0x2800, s17  }
0x4: {  	s2 =	rddreg [dreg:$0x2];
	s7 =	smul.u32 $0x2780, s17  }
0x5: {  	s3 =	simm.s32 $0x0;
	s28 =	simm.s32 $0x5;
	s11 =	smul.u32 $0x500, s17  }
0x6: {  	s29 =	simm.s32 $0x160C0;
	s1 =	sand.u32 $0x1, s1;
	s24 =	smul.u32 $0x4F0, s17  }
0x7: {  	s30 =	simm.s32 $0x80;
	s31 =	simm.s32 $0x161C0;
	s4 =	smul.u32 $0x28000, s1  }
0x8: {  	s10 =	sor.u32 $0x10, s17;
	s8 =	ssub.s32 $0x2, s1;
	s1 =	smul.u32 $0x27100, s1  }
0x9: {  	[smem:$0x7FF] =	sst s3;
	s19 =	sor.u32 $0x40, s17;
	s12 =	smul.u32 $0x500, s10  }
0xa: {  	s21 =	sor.u32 $0x60, s17;
	s22 =	sor.u32 $0x70, s17;
	s15 =	smul.u32 $0x500, s19  }
0xb: {  	_ =	strace $0x8000004D;
	s26 =	smul.u32 $0x500, s21;
	s9 =	sshrl.u32 s8, $0x1  }
0xc: {  	s18 =	smul.u32 $0x500, s22;
	s8 =	ssub.s32 s8, s9;
	s9 =	sor.u32 $0x20, s17  }
0xd: {  	s1 =	sadd.s32 s5, s1;
	s5 =	sor.u32 $0x50, s17;
	s13 =	smul.u32 $0x500, s9  }
0xe: {  	p0 =	sgt.u32 s22, $0x7C;
	s4 =	sadd.s32 s6, s4;
	s16 =	smul.u32 $0x500, s5  }
0xf: {  	s7 =	sshrl.u32 s7, $0x3;
	s6 =	sshrl.u32 s4, $0x3;
	s9 =	smul.u32 $0xA000, s9  }
0x10: {  	s4 =	sadd.s32 $0x15C00, s0;
	s11 =	sadd.s32 s1, s11;
	s5 =	smul.u32 $0xA000, s5  }
0x11: {  	s25 =	sadd.s32 s1, s12;
	s20 =	sadd.s32 s1, s15;
	s12 =	smul.u32 $0xA000, s21  }
0x12: {  	s6 =	sadd.s32 s6, s0;
	[dreg:$0x6] =	wrdreg s25;
	s25 =	smul.u32 $0xA000, s17  }
0x13: {  	[dreg:$0x5] =	wrdreg s11;
	s11 =	sadd.s32 s1, s26;
	s26 =	smul.u32 $0xA000, s10  }
0x14: {  	s0 =	sadd.s32 $0x6C00, s0;
	[dreg:$0x9] =	wrdreg s20;
	s10 =	smul.u32 $0xA000, s19  }
0x15: {  	s6 =	sadd.s32 $0xBC00, s6;
	s13 =	sadd.s32 s1, s13;
	[dreg:$0xb] =	wrdreg s11  }
0x16: {  	s23 =	sadd.s32 s1, s16;
	[dreg:$0x4] =	wrdreg s6;
	s6 =	sor.u32 $0x30, s17  }
0x17: {  	s16 =	smax.u32 s8, $0x1;
	s11 =	sshrl.u32 s9, $0x2;
	s14 =	smul.u32 $0x500, s6  }
0x18: {  	s8 =	simm.s32 $0x4;
	s9 =	simm.s32 $0x0;
	[dreg:$0x7] =	wrdreg s13  }
0x19: {  	[dreg:$0xa] =	wrdreg s23;
	s6 =	smul.u32 $0xA000, s6;
	s14 =	sadd.s32 s1, s14  }
0x1a: {  	s19 =	sadd.s32 s11, s2;
	s1 =	sadd.s32 s1, s18;
	[dreg:$0x8] =	wrdreg s14  }
0x1b: {  	s13 =	smul.u32 $0xA000, s22;
	s6 =	sshrl.u32 s6, $0x2;
	[dreg:$0xc] =	wrdreg s1  }
0x1c: {  	s14 =	sadd.s32 s0, s7;
	s0 =	sadd.s32 s24, s0;
	s1 =	sshrl.u32 s25, $0x2  }
0x1d: {  	s7 =	sshrl.u32 s26, $0x2;
	s20 =	sadd.s32 s6, s2;
	s24 =	sshrl.u32 s5, $0x2  }
0x1e: {  	s25 =	sshrl.u32 s12, $0x2;
	s26 =	sshrl.u32 s13, $0x2;
	s5 =	simm.s32 $0x1  }
.Ltmp0:
0x1f: {  	s6 =	simm.s32 $0x3;
	s15 =	sadd.s32 $0x10, s14;
	(pc) =	sbr.rel .LBB2_1-.Ltmp0, $4  }
0x20: {  	s17 =	sadd.s32 s1, s2;
	s18 =	sadd.s32 s7, s2;
	s1 =	sshrl.u32 s10, $0x2  }
0x21: {  	s22 =	sadd.s32 s24, s2;
	s23 =	sadd.s32 s25, s2;
	s24 =	sadd.s32 s26, s2  }
0x22: {  	s11 =	sadd.s32 $0x30, s0;
	s26 =	simm.s32 $0x138C0;
	s0 =	simm.s32 $0x16140  }
0x23: {  	v0 =	vimm.f32 $0.0e+00;
	s7 =	simm.s32 $0x2;
	s21 =	sadd.s32 s1, s2;
	s1 =	simm.s32 $0x1A1C0  }
.LBB2_6:
0x24: {  	_ =	swait.ge [sflag:s5], $0x80  }
0x25: {  	[sflag:s5] =	ssyncset.done $0x0  }
0x26: {  	[sflag:s5] =	ssyncadd.s32 $0xFFFFFF80  }
0x27: {  	_ =	swait.ge [sflag:s6], $0x4000  }
0x28: {  	[sflag:s6] =	ssyncset.done $0x0  }
0x29: {  	[sflag:s6] =	ssyncadd.s32 $0xFFFFC000  }
0x2a: {  	[spmem:s2] =	stream.indirect.scatter.add.f32 [tilespmem:s31], [sflag:$0x5], $0x80, s29, s30, $0xb8;
	[tilespmem:$0x1E1C0] =	vst v63  }
0x2b: {  	_ =	swait.ge [sflag:s28], $0x4000  }
0x2c: {  	[sflag:s28] =	ssyncset.done $0x0  }
0x2d: {  	s10 =	stileid.u32;
	[sflag:s28] =	ssyncadd.s32 $0xFFFFC000  }
0x2e: {  	s10 =	sshll.u32 s10, $0x6;
	[bflag:$0x0] =	sbarrier.arrive $0xFFFF  }
0x2f: {  	s12 =	sshrl.u32 s17, $0x3;
	s10 =	sor.u32 $0x1C05, s10;
	s13 =	rddreg [dreg:$0x5]  }
0x30: {  	[hbm:s13], [sflag:s10] =	dma.local [spmem:s12], $0x500  }
0x31: {  	_ =	swait.ge [sflag:s28], $0x500  }
0x32: {  	[sflag:s28] =	ssyncset.done $0x0  }
0x33: {  	s13 =	sshrl.u32 s18, $0x3;
	s25 =	rddreg [dreg:$0x6];
	[sflag:s28] =	ssyncadd.s32 $0xFFFFFB00  }
0x34: {  	[hbm:s25], [sflag:s10] =	dma.local [spmem:s13], $0x500  }
0x35: {  	_ =	swait.ge [sflag:s28], $0x500  }
0x36: {  	[sflag:s28] =	ssyncset.done $0x0  }
0x37: {  	s13 =	sshrl.u32 s19, $0x3;
	s25 =	rddreg [dreg:$0x7];
	[sflag:s28] =	ssyncadd.s32 $0xFFFFFB00  }
0x38: {  	[hbm:s25], [sflag:s10] =	dma.local [spmem:s13], $0x500  }
0x39: {  	_ =	swait.ge [sflag:s28], $0x500  }
0x3a: {  	[sflag:s28] =	ssyncset.done $0x0  }
0x3b: {  	s13 =	sshrl.u32 s20, $0x3;
	s25 =	rddreg [dreg:$0x8];
	[sflag:s28] =	ssyncadd.s32 $0xFFFFFB00  }
0x3c: {  	[hbm:s25], [sflag:s10] =	dma.local [spmem:s13], $0x500  }
0x3d: {  	_ =	swait.ge [sflag:s28], $0x500  }
0x3e: {  	[sflag:s28] =	ssyncset.done $0x0  }
0x3f: {  	s13 =	sshrl.u32 s21, $0x3;
	s25 =	rddreg [dreg:$0x9];
	[sflag:s28] =	ssyncadd.s32 $0xFFFFFB00  }
0x40: {  	[hbm:s25], [sflag:s10] =	dma.local [spmem:s13], $0x500  }
0x41: {  	_ =	swait.ge [sflag:s28], $0x500  }
0x42: {  	[sflag:s28] =	ssyncset.done $0x0  }
0x43: {  	s13 =	sshrl.u32 s22, $0x3;
	s25 =	rddreg [dreg:$0xa];
	[sflag:s28] =	ssyncadd.s32 $0xFFFFFB00  }
0x44: {  	[hbm:s25], [sflag:s10] =	dma.local [spmem:s13], $0x500  }
0x45: {  	_ =	swait.ge [sflag:s28], $0x500  }
0x46: {  	[sflag:s28] =	ssyncset.done $0x0  }
0x47: {  	s13 =	sshrl.u32 s23, $0x3;
	s25 =	rddreg [dreg:$0xb];
	[sflag:s28] =	ssyncadd.s32 $0xFFFFFB00  }
0x48: {  	[hbm:s25], [sflag:s10] =	dma.local [spmem:s13], $0x500  }
0x49: {  	s9 =	sadd.s32 $0x1, s9;
	_ =	swait.ge [sflag:s28], $0x500  }
0x4a: {  	p1 =	sne.s32 s9, s16;
	[sflag:s28] =	ssyncset.done $0x0  }
0x4b: {  	s12 =	sshrl.u32 @!p0 s24, $0x3;
	s13 =	rddreg [dreg:$0xc];
	[sflag:s28] =	ssyncadd.s32 $0xFFFFFB00  }
0x4c: {  	[hbm:s13], [sflag:s10] =	dma.local @!p0 [spmem:s12], $0x500  }
.Ltmp1:
0x4d: {  	_ = 	snop;
	(pc) =	sbr.rel @!p1 .LBB2_7-.Ltmp1, $4  }
0x4e: {  	s10 =	simm.s32 @!p0 $0x5  }
0x4f: {  	_ =	swait.ge @!p0 [sflag:s10], $0x500  }
0x50: {  	[sflag:s10] =	ssyncset.done @!p0 $0x0  }
0x51: {  	[sflag:s10] =	ssyncadd.s32 @!p0 $0xFFFFFB00  }
.LBB2_1:
0x52: {  	s10 =	rddreg [dreg:$0x4]  }
0x53: {  	[tilespmem:s26], [sflag:$0x5] =	stream.linear.gather [hbm4b:s10+s3], $0x2780, $0x38;
	[tilespmem:$0x1E1C0] =	vst v63  }
0x54: {  	_ =	swait.ge [sflag:s28], $0x2780  }
0x55: {  	[sflag:s28] =	ssyncset.done $0x0  }
0x56: {  	[sflag:s28] =	ssyncadd.s32 $0xFFFFD880  }
0x57: {  	[tilespmem:s29], [sflag:$0x1] =	stream.linear.gather [hbm4b:s14+s3], $0x80, $0x38;
	[tilespmem:$0x1E1C0] =	vst v63  }
0x58: {  	s25 =	simm.s32 $0x200;
	s10 =	simm.s32 $0x0  }
0x59: {  	[tilespmem:s31], [sflag:$0x3] =	stream.indirect.gather [hbm4b:s4+s30], $0x80, s26, s30, $0xb8;
	[tilespmem:$0x1E1C0] =	vst v63  }
.LBB2_2:
0x5a: {  	p1 =	sne.s32 s25, $0x9E00;
	[tilespmem:s10+$0x1A230] =	vst v0  }
0x5b: {  	[tilespmem:s10+$0x1A1C0] =	vst v0  }
0x5c: {  	[tilespmem:s10+$0x1A1D0] =	vst v0  }
.Ltmp2:
0x5d: {  	[tilespmem:s10+$0x1A1E0] =	vst v0;
	(pc) =	sbr.rel @p1 .LBB2_2-.Ltmp2, $4  }
0x5e: {  	[tilespmem:s10+$0x1A1F0] =	vst v0  }
0x5f: {  	[tilespmem:s10+$0x1A200] =	vst v0  }
0x60: {  	[tilespmem:s10+$0x1A210] =	vst v0  }
0x61: {  	[tilespmem:s10+$0x1A220] =	vst v0;
	s10 =	sshra.s32 s25, $0x2;
	s25 =	sadd.s32 $0x200, s25  }
0x62: {  	[tilespmem:s10+$0x1A230] =	vst v0  }
0x63: {  	[tilespmem:s10+$0x1A1C0] =	vst v0  }
0x64: {  	[tilespmem:s10+$0x1A1D0] =	vst v0  }
0x65: {  	[tilespmem:s10+$0x1A1E0] =	vst v0  }
0x66: {  	[tilespmem:s10+$0x1A1F0] =	vst v0  }
0x67: {  	[tilespmem:s10+$0x1A200] =	vst v0  }
0x68: {  	[tilespmem:s10+$0x1A210] =	vst v0  }
0x69: {  	[tilespmem:s10+$0x1A220] =	vst v0  }
0x6a: {  	[spmem:s17] =	stream.linear.scatter [tilespmem:s1], [sflag:$0x5], $0x2800, $0x38;
	[tilespmem:$0x1E1C0] =	vst v63  }
0x6b: {  	_ =	swait.ge [sflag:s28], $0x2800  }
0x6c: {  	[sflag:s28] =	ssyncset.done $0x0  }
0x6d: {  	[sflag:s28] =	ssyncadd.s32 $0xFFFFD800  }
0x6e: {  	[spmem:s18] =	stream.linear.scatter [tilespmem:s1], [sflag:$0x5], $0x2800, $0x38;
	[tilespmem:$0x1E1C0] =	vst v63  }
0x6f: {  	_ =	swait.ge [sflag:s28], $0x2800  }
0x70: {  	[sflag:s28] =	ssyncset.done $0x0  }
0x71: {  	[sflag:s28] =	ssyncadd.s32 $0xFFFFD800  }
0x72: {  	[spmem:s19] =	stream.linear.scatter [tilespmem:s1], [sflag:$0x5], $0x2800, $0x38;
	[tilespmem:$0x1E1C0] =	vst v63  }
0x73: {  	_ =	swait.ge [sflag:s28], $0x2800  }
0x74: {  	[sflag:s28] =	ssyncset.done $0x0  }
0x75: {  	[sflag:s28] =	ssyncadd.s32 $0xFFFFD800  }
0x76: {  	[spmem:s20] =	stream.linear.scatter [tilespmem:s1], [sflag:$0x5], $0x2800, $0x38;
	[tilespmem:$0x1E1C0] =	vst v63  }
0x77: {  	_ =	swait.ge [sflag:s28], $0x2800  }
0x78: {  	[sflag:s28] =	ssyncset.done $0x0  }
0x79: {  	[sflag:s28] =	ssyncadd.s32 $0xFFFFD800  }
0x7a: {  	[spmem:s21] =	stream.linear.scatter [tilespmem:s1], [sflag:$0x5], $0x2800, $0x38;
	[tilespmem:$0x1E1C0] =	vst v63  }
0x7b: {  	_ =	swait.ge [sflag:s28], $0x2800  }
0x7c: {  	[sflag:s28] =	ssyncset.done $0x0  }
0x7d: {  	[sflag:s28] =	ssyncadd.s32 $0xFFFFD800  }
0x7e: {  	[spmem:s22] =	stream.linear.scatter [tilespmem:s1], [sflag:$0x5], $0x2800, $0x38;
	[tilespmem:$0x1E1C0] =	vst v63  }
0x7f: {  	_ =	swait.ge [sflag:s28], $0x2800  }
0x80: {  	[sflag:s28] =	ssyncset.done $0x0  }
0x81: {  	[sflag:s28] =	ssyncadd.s32 $0xFFFFD800  }
0x82: {  	[spmem:s23] =	stream.linear.scatter [tilespmem:s1], [sflag:$0x5], $0x2800, $0x38;
	[tilespmem:$0x1E1C0] =	vst v63  }
0x83: {  	_ =	swait.ge [sflag:s28], $0x2800  }
0x84: {  	[sflag:s28] =	ssyncset.done $0x0  }
0x85: {  	s10 =	simm.s32 @!p0 $0x1A1C0;
	[sflag:s28] =	ssyncadd.s32 $0xFFFFD800  }
0x86: {  	[spmem:s24] =	stream.linear.scatter @!p0 [tilespmem:s10], [sflag:$0x5], $0x2800, $0x38;
	[tilespmem:$0x1E1C0] =	vst v63  }
0x87: {  	s10 =	simm.s32 @!p0 $0x5  }
0x88: {  	_ =	swait.ge @!p0 [sflag:s10], $0x2800  }
0x89: {  	[sflag:s10] =	ssyncset.done @!p0 $0x0  }
0x8a: {  	[sflag:s10] =	ssyncadd.s32 @!p0 $0xFFFFD800  }
0x8b: {  	[bflag:$0x0] =	sbarrier.arrive $0xFFFF  }
0x8c: {  	[tilespmem:s0], [sflag:$0x2] =	stream.linear.gather [hbm4b:s15+s3], $0x80, $0x38;
	[tilespmem:$0x1E1C0] =	vst v63  }
0x8d: {  	s25 =	simm.s32 $0x13940  }
0x8e: {  	[tilespmem:s1], [sflag:$0x4] =	stream.indirect.gather [hbm4b:s4+s30], $0x80, s25, s30, $0xb8;
	[tilespmem:$0x1E1C0] =	vst v63  }
0x8f: {  	s10 =	simm.s32 $0xFFFF6800;
	s25 =	smov.u32 s11  }
.LBB2_4:
0x90: {  	_ =	swait.ge [sflag:s5], $0x80  }
0x91: {  	[sflag:s5] =	ssyncset.done $0x0  }
0x92: {  	[sflag:s5] =	ssyncadd.s32 $0xFFFFFF80  }
0x93: {  	_ =	swait.ge [sflag:s6], $0x4000  }
0x94: {  	[sflag:s6] =	ssyncset.done $0x0  }
0x95: {  	[sflag:s6] =	ssyncadd.s32 $0xFFFFC000  }
0x96: {  	[spmem:s2] =	stream.indirect.scatter.add.f32 [tilespmem:s31], [sflag:$0x5], $0x80, s29, s30, $0xb8;
	[tilespmem:$0x1E1C0] =	vst v63  }
0x97: {  	_ =	swait.ge [sflag:s28], $0x4000  }
0x98: {  	[sflag:s28] =	ssyncset.done $0x0  }
0x99: {  	s12 =	sadd.s32 $0xFFFFFFF0, s25;
	[sflag:s28] =	ssyncadd.s32 $0xFFFFC000  }
0x9a: {  	[tilespmem:s29], [sflag:$0x1] =	stream.linear.gather [hbm4b:s12+s3], $0x80, $0x38;
	[tilespmem:$0x1E1C0] =	vst v63  }
0x9b: {  	s12 =	sshra.s32 s10, $0x2  }
0x9c: {  	s13 =	sadd.s32 $0x15FC0, s12  }
0x9d: {  	[tilespmem:s31], [sflag:$0x3] =	stream.indirect.gather [hbm4b:s4+s30], $0x80, s13, s30, $0xb8;
	[tilespmem:$0x1E1C0] =	vst v63  }
0x9e: {  	_ =	swait.ge [sflag:s7], $0x80  }
0x9f: {  	[sflag:s7] =	ssyncset.done $0x0  }
0xa0: {  	[sflag:s7] =	ssyncadd.s32 $0xFFFFFF80  }
0xa1: {  	_ =	swait.ge [sflag:s8], $0x4000  }
0xa2: {  	p1 =	seq.s32 s10, $0x0;
	[sflag:s8] =	ssyncset.done $0x0  }
.Ltmp3:
0xa3: {  	[sflag:s8] =	ssyncadd.s32 $0xFFFFC000;
	(pc) =	sbr.rel @p1 .LBB2_6-.Ltmp3, $4  }
0xa4: {  	[spmem:s2] =	stream.indirect.scatter.add.f32 [tilespmem:s1], [sflag:$0x5], $0x80, s0, s30, $0xb8;
	[tilespmem:$0x1E1C0] =	vst v63  }
0xa5: {  	_ =	swait.ge [sflag:s28], $0x4000  }
0xa6: {  	[sflag:s28] =	ssyncset.done $0x0  }
0xa7: {  	[sflag:s28] =	ssyncadd.s32 $0xFFFFC000  }
.Ltmp4:
0xa8: {  	(pc) =	sbr.rel .LBB2_4-.Ltmp4, $4  }
0xa9: {  	_ = 	snop  }
0xaa: {  	[tilespmem:s0], [sflag:$0x2] =	stream.linear.gather [hbm4b:s25+s3], $0x80, $0x38;
	[tilespmem:$0x1E1C0] =	vst v63  }
0xab: {  	s12 =	sadd.s32 $0x16040, s12;
	s10 =	sadd.s32 $0x400, s10;
	s25 =	sadd.s32 $0x20, s25  }
0xac: {  	[tilespmem:s1], [sflag:$0x4] =	stream.indirect.gather [hbm4b:s4+s30], $0x80, s12, s30, $0xb8;
	[tilespmem:$0x1E1C0] =	vst v63  }
.LBB2_7:
0xad: {  	_ =	sfence.sel $0x180000  }
0xae: {  	[bflag:$0x0] =	sbarrier.arrive $0xFFFF  }
0xaf: {  	_ =	strace $0x9000004D  }
0xb0: {  	s0 =	stileid.u32;
	[bflag:$0x2] =	sbarrier.arrive $0xFFFF  }
0xb1: {  	p0 =	sne.s32 s0, $0x0;
	s0 =	rddreg [dreg:$0x3]  }
0xb2: {  	s0 =	sadd.s32 @!p0 $0x100000, s0  }
0xb3: {  	[sflag:s0] =	ssyncadd.tile.s32 @!p0 $0x1;
	_ =	shalt  }
.Lfunc_end2:
_tile_overlayer_lowered:
.L_overlay_start_2:
0xb4: {  	(tag) =	ssettag $0x2  }
0xb5: {  	s0 =	rddreg [dreg:$0x0];
	s2 =	stileid.u32  }
0xb6: {  	s1 =	rddreg [dreg:$0x1];
	p0 =	sne.s32 s2, $0x0  }
0xb7: {  	s3 =	rddreg [dreg:$0x2];
	[bflag:$0x3] =	sbarrier.arrive $0xFFFF;
	s2 =	simm.s32 @!p0 $0x1C05  }
0xb8: {  	[timem:s3], [sflag:s2] =	dma.local @!p0 [hbm:s0], s1  }
0xb9: {  	s0 =	simm.s32 @!p0 $0x5  }
0xba: {  	_ =	swait.ge @!p0 [sflag:s0], s1  }
0xbb: {  	s1 =	ssub.s32 @!p0 $0x0, s1;
	[sflag:s0] =	ssyncset.done @!p0 $0x0  }
0xbc: {  	[sflag:s0] =	ssyncadd.s32 @!p0 s1  }
0xbd: {  	[bflag:$0x3] =	sbarrier.arrive $0xFFFF  }
0xbe: {  	_ =	shalt  }

// kernel: kernel.8.cloned.1.call-start
scs
__scs_entry_jumppad:
0x0: {  	(pc) =	sbr.rel $0x88, $3  }
0x1: {  	(tag) =	ssettag $0x0;
	lr =	simm.s32 $0x1  }
0x2: {  	[smem:$0x3F9B] =	sst lr;
	_ =	strace $0xD0000000  }
0x3: {  	_ = 	snop  }
0x4: {  	_ = 	snop  }
0x5: {  	_ = 	snop  }
0x6: {  	_ = 	snop  }
0x7: {  	_ = 	snop  }
__scs_overlays_trampoline_lowered:
0x8: {  	[smem:$0x3FAA] =	sst s0  }
0x9: {  	[smem:$0x3FAB] =	sst s1  }
0xa: {  	[smem:$0x3FAC] =	sst s2  }
0xb: {  	[smem:$0x3FAD] =	sst s3  }
0xc: {  	[smem:$0x3FAE] =	sst s4  }
0xd: {  	[smem:$0x3FAF] =	sst s5  }
0xe: {  	[smem:$0x3FB0] =	sst s6  }
0xf: {  	[smem:$0x3FB1] =	sst s7  }
0x10: {  	[smem:$0x3FB2] =	sst s8  }
0x11: {  	[smem:$0x3FB3] =	sst s9;
	s0 =	simm.s32 @!p0 $0x0  }
0x12: {  	s1 =	sld [smem:$0x3F99];
	s0 =	simm.s32 @p0 $0x1  }
0x13: {  	[smem:$0x3FB4] =	sst s0;
	s0 =	simm.s32 @!p1 $0x0  }
0x14: {  	s2 =	sld [smem:$0x3F98];
	s0 =	simm.s32 @p1 $0x1  }
0x15: {  	[smem:$0x3FB5] =	sst s0;
	s0 =	simm.s32 @!p2 $0x0  }
0x16: {  	s3 =	sld [smem:$0x3FDB];
	s0 =	simm.s32 @p2 $0x1  }
0x17: {  	s4 =	simm.s32 $0x1BF5;
	[smem:$0x3FB7] =	sst s0  }
0x18: {  	s0 =	sld [smem:$0x3F9A];
	_ =	swait.ge [sflag:s4], $0x0  }
0x19: {  	s7 =	sld [smem:$0x3F9B]  }
0x1a: {  	s8 =	sadd.s32 $0xFFFFE003, lr  }
0x1b: {  	s9 =	sadd.s32 $0xFFFFFEF7, lr;
	s5 =	simm.s32 $0xFFFFFFFF;
	p2 =	slt.u32 s8, $0xFFFFF086  }
0x1c: {  	p1 =	slt.u32 s9, $0xF7A;
	s5 =	simm.s32 @!p2 $0x0  }
0x1d: {  	s5 =	simm.s32 @p1 $0x1;
	p0 =	seq.s32 s7, s2  }
0x1e: {  	s7 =	smul.u32 @!p0 $0xF7A, s2;
	p2 =	seq.s32 @!p0 s5, $0x0  }
0x1f: {  	s9 =	smul.u32 $0xF7A, s1;
	s8 =	simm.s32 @!p0 $0x1BF5;
	p2 =	por !p2, p0  }
0x20: {  	[sflag:s8] =	ssyncset.s32 @!p0 $0xFFFFF086;
	s6 =	sadd.s32 @!p0 s3, s7;
	s7 =	simm.s32 @!p0 $0x108  }
0x21: {  	s3 =	sadd.s32 s3, s9;
	s6 =	sadd.s32 @!p0 $0x88, s6;
	s7 =	simm.s32 @p2 $0x1082  }
0x22: {  	[simem:s7], [sflag:s8] =	dma.local @!p0 [hbm:s6], $0xF7A  }
0x23: {  	s9 =	sor.u32 $0xD0000000, s2;
	s6 =	simm.s32 $0x108;
	_ =	swait.ge @!p0 [sflag:s8], $0x0  }
0x24: {  	s3 =	sadd.s32 $0x88, s3;
	s6 =	simm.s32 @!p1 $0x1082;
	[sflag:s4] =	ssyncset.s32 $0xFFFFF086  }
0x25: {  	[simem:s6], [sflag:s4] =	dma.local [hbm:s3], $0xF7A  }
0x26: {  	[smem:$0x3F9B] =	sst s1;
	(tag) =	ssettag s2;
	_ =	strace s9  }
0x27: {  	s1 =	sld [smem:$0x3FAB]  }
0x28: {  	s2 =	sld [smem:$0x3FAC]  }
0x29: {  	s4 =	sld [smem:$0x3FAE]  }
0x2a: {  	p0 =	seq.s32 s5, $0x0;
	s5 =	sld [smem:$0x3FAF]  }
0x2b: {  	s6 =	sld [smem:$0x3FB0]  }
0x2c: {  	s7 =	sld [smem:$0x3FB1]  }
0x2d: {  	s3 =	simm.s32 $0x108;
	s8 =	sld [smem:$0x3FB2]  }
0x2e: {  	s3 =	simm.s32 @!p0 $0x1082;
	s9 =	sld [smem:$0x3FB3]  }
0x2f: {  	lr =	sadd.s32 s0, s3;
	s0 =	sld [smem:$0x3FAA]  }
0x30: {  	s3 =	sld [smem:$0x3FAD]  }
0x31: {  	[smem:$0x3FB6] =	sst s10  }
0x32: {  	s10 =	sld [smem:$0x3FB4];
	_ =	sdelay $0x3  }
0x33: {  	p0 =	seq.s32 s10, $0x1;
	s10 =	sld [smem:$0x3FB6];
	_ =	sdelay $0x3  }
0x34: {  	[smem:$0x3FB6] =	sst s10  }
0x35: {  	s10 =	sld [smem:$0x3FB5];
	_ =	sdelay $0x3  }
0x36: {  	p1 =	seq.s32 s10, $0x1;
	s10 =	sld [smem:$0x3FB6];
	_ =	sdelay $0x3  }
0x37: {  	[smem:$0x3FB6] =	sst s10  }
0x38: {  	s10 =	sld [smem:$0x3FB7]  }
0x39: {  	_ = 	snop;
	(pc) =	sbr.ind lr, $3  }
0x3a: {  	_ = 	snop  }
0x3b: {  	_ = 	snop  }
0x3c: {  	p2 =	seq.s32 s10, $0x1;
	s10 =	sld [smem:$0x3FB6]  }
0x3d: {  	_ =	shalt  }
0x3e: {  	_ =	shalt  }
0x3f: {  	_ =	shalt  }
0x40: {  	_ =	shalt  }
0x41: {  	_ =	shalt  }
0x42: {  	_ =	shalt  }
0x43: {  	_ =	shalt  }
0x44: {  	_ =	shalt  }
0x45: {  	_ =	shalt  }
0x46: {  	_ =	shalt  }
0x47: {  	_ =	shalt  }
0x48: {  	_ =	shalt  }
0x49: {  	_ =	shalt  }
0x4a: {  	_ =	shalt  }
0x4b: {  	_ =	shalt  }
0x4c: {  	_ =	shalt  }
0x4d: {  	_ =	shalt  }
0x4e: {  	_ =	shalt  }
0x4f: {  	_ =	shalt  }
0x50: {  	_ =	shalt  }
0x51: {  	_ =	shalt  }
0x52: {  	_ =	shalt  }
0x53: {  	_ =	shalt  }
0x54: {  	_ =	shalt  }
0x55: {  	_ =	shalt  }
0x56: {  	_ =	shalt  }
0x57: {  	_ =	shalt  }
0x58: {  	_ =	shalt  }
0x59: {  	_ =	shalt  }
0x5a: {  	_ =	shalt  }
0x5b: {  	_ =	shalt  }
0x5c: {  	_ =	shalt  }
0x5d: {  	_ =	shalt  }
0x5e: {  	_ =	shalt  }
0x5f: {  	_ =	shalt  }
0x60: {  	_ =	shalt  }
0x61: {  	_ =	shalt  }
0x62: {  	_ =	shalt  }
0x63: {  	_ =	shalt  }
0x64: {  	_ =	shalt  }
0x65: {  	_ =	shalt  }
0x66: {  	_ =	shalt  }
0x67: {  	_ =	shalt  }
0x68: {  	_ =	shalt  }
0x69: {  	_ =	shalt  }
0x6a: {  	_ =	shalt  }
0x6b: {  	_ =	shalt  }
0x6c: {  	_ =	shalt  }
0x6d: {  	_ =	shalt  }
0x6e: {  	_ =	shalt  }
0x6f: {  	_ =	shalt  }
0x70: {  	_ =	shalt  }
0x71: {  	_ =	shalt  }
0x72: {  	_ =	shalt  }
0x73: {  	_ =	shalt  }
0x74: {  	_ =	shalt  }
0x75: {  	_ =	shalt  }
0x76: {  	_ =	shalt  }
0x77: {  	_ =	shalt  }
0x78: {  	_ =	shalt  }
0x79: {  	_ =	shalt  }
0x7a: {  	_ =	shalt  }
0x7b: {  	_ =	shalt  }
0x7c: {  	_ =	shalt  }
0x7d: {  	_ =	shalt  }
0x7e: {  	_ =	shalt  }
0x7f: {  	_ =	shalt  }
0x80: {  	_ =	shalt  }
0x81: {  	_ =	shalt  }
0x82: {  	_ =	shalt  }
0x83: {  	_ =	shalt  }
0x84: {  	_ =	shalt  }
0x85: {  	_ =	shalt  }
0x86: {  	_ =	shalt  }
0x87: {  	_ =	shalt  }
.Lfunc_end0:
.L_simem_size_0:
called_computation_lowered:
.L_overlay_start_0:
0x88: {  	s2 =	sld [smem:$0x3FD9]  }
0x89: {  	s3 =	sld [smem:$0x3FFE];
	_ =	sdelay $0x1  }
0x8a: {  	s1 =	srdreg.scid  }
0x8b: {  	s0 =	sand.u32 $0x1, s1  }
0x8c: {  	s17 =	sshll.u32 s0, $0xA;
	s2 =	sadd.s32 s3, s2  }
0x8d: {  	s2 =	sadd.s32 s2, s17  }
0x8e: {  	[smem:$0x3FC2] =	sst s2  }
0x8f: {  	_ = 	snop  }
0x90: {  	s2 =	sld [smem:$0x3FD0];
	(tm) =	ssettm $0x1  }
0x91: {  	s18 =	sld [smem:$0x3FFB];
	_ =	sdelay $0x3  }
0x92: {  	_ =	strace s18  }
0x93: {  	s3 =	sld [smem:$0x3FFC];
	_ =	sdelay $0x3  }
0x94: {  	_ =	strace s3  }
0x95: {  	s3 =	sld [smem:$0x3FFD];
	_ =	sdelay $0x3  }
0x96: {  	_ =	strace s3  }
0x97: {  	_ =	strace $0x8FFFFFFF  }
0x98: {  	s19 =	sld [smem:$0x3FDB];
	_ =	sdelay $0x1  }
0x99: {  	s4 =	simm.s32 $_scs_section_size  }
0x9a: {  	s5 =	simm.s32 $_size__tile_overlayer_lowered;
	s6 =	simm.s32 $_tile_overlayer_lowered  }
0x9b: {  	s22 =	simm.s32 $0x1BFF;
	s21 =	sshll.u32 s6, $0x1;
	s3 =	sadd.s32 s4, s19  }
0x9c: {  	s7 =	simm.s32 $0x0;
	s20 =	sshll.u32 s5, $0x1;
	s5 =	sadd.s32 s21, s3  }
0x9d: {  	[timem:s7], [sflag:s22] =	dma.local [hbm:s5], s20  }
0x9e: {  	_ =	swait.ge [sflag:s22], s20  }
0x9f: {  	s4 =	ssub.s32 $0x0, s20;
	[sflag:s22] =	ssyncset.done $0x0  }
0xa0: {  	[sflag:s22] =	ssyncadd.s32 s4;
	_ =	sdelay $0x1  }
0xa1: {  	s23 =	simm.s32 $0x1B8B  }
0xa2: {  	_ =	swait.ge [sflag:s23], $0x1  }
0xa3: {  	[sflag:s23] =	ssyncset.done $0x0  }
0xa4: {  	s25 =	simm.s32 $0x1B8E;
	s24 =	sld [smem:$0x3FFE];
	[sflag:s23] =	ssyncadd.s32 $0xFFFFFFFF  }
0xa5: {  	s26 =	simm.s32 $execute0_lowered;
	[smem:$0x3FD2] =	sst s25  }
0xa6: {  	s5 =	sshll.u32 s26, $0x1;
	_ =	strace $0x80000046;
	[dreg:$0x1] =	wrdreg $0xFFFFFFFF  }
0xa7: {  	s28 =	simm.s32 $_size_execute0_lowered;
	s3 =	sadd.s32 s3, s5;
	[dreg:$0x0] =	wrdreg $0x0  }
0xa8: {  	s5 =	sshll.u32 s28, $0x1;
	[dreg:$0x2] =	wrdreg s3  }
0xa9: {  	[dreg:$0x3] =	wrdreg s5  }
0xaa: {  	[dreg:$0x4] =	wrdreg $0xC0  }
0xab: {  	_ =	task [dreg:s7], $0x5FFFF  }
0xac: {  	[dreg:$0x1] =	wrdreg $0xFFFFFFFF  }
0xad: {  	[dreg:$0x0] =	wrdreg $0x60  }
0xae: {  	[dreg:$0x2] =	wrdreg s24  }
0xaf: {  	[dreg:$0x3] =	wrdreg s2  }
0xb0: {  	[dreg:$0x4] =	wrdreg $0x9  }
0xb1: {  	_ =	task.clear_ibuf [dreg:s7], $0x5FFFF;
	_ =	strace $0x90000046  }
0xb2: {  	s29 =	simm.s32 $0x9;
	_ =	strace $0x80000048  }
0xb3: {  	_ =	swait.ge [sflag:s29], $0x1  }
0xb4: {  	[sflag:s29] =	ssyncadd.s32 $0xFFFFFFFF  }
0xb5: {  	_ =	strace $0x90000048  }
0xb6: {  	_ =	sfence  }
0xb7: {  	s30 =	sld [smem:$0x0];
	_ =	sdelay $0x2  }
0xb8: {  	s31 =	sshll.u32 s1, $0xD;
	s1 =	sshrl.u32 s1, $0x2  }
0xb9: {  	s3 =	sand.u32 $0x4000, s31;
	s1 =	sadd.s32 s1, s30  }
0xba: {  	s0 =	sor.u32 s3, s0;
	s1 =	sshll.u32 s1, $0x11  }
0xbb: {  	s0 =	sor.u32 s1, s0  }
0xbc: {  	s0 =	sadd.s32 $0x8F2B, s0  }
0xbd: {  	[sflag:s0] =	ssyncadd.remote.s32 $0x1  }
0xbe: {  	_ =	sfence.sel $0xFFFF  }
0xbf: {  	[dreg:$0x0] =	wrdreg $0xFFFFFFFF;
	(pc) =	sbr.abs _section_cstart, $3  }
0xc0: {  	[dreg:$0x1] =	wrdreg $0xFFFFFFFF  }
0xc1: {  	_ =	task.clear_ibuf [dreg:s7], $0x2FFFF;
	_ =	strace $0x9FFFFFFF  }
0xc2: {  	(tm) =	ssettm $0x7FFFFFFF  }
0xc3: {  	_ =	shalt  }
tec
execute0_lowered:
.L_overlay_start_1:
0x0: {  	(tag) =	ssettag $0x1  }
0x1: {  	s3 =	rddreg [dreg:$0x0];
	s1 =	srdreg.scid  }
0x2: {  	s0 =	stileid.u32;
	s4 =	rddreg [dreg:$0x1];
	s9 =	simm.s32 $0x400  }
0x3: {  	s5 =	sand.u32 $0x1, s1;
	s2 =	sshll.u32 s0, $0x1;
	s8 =	sshrl.u32 s0, $0x2  }
0x4: {  	s1 =	rddreg [dreg:$0x2];
	s6 =	sor.u32 s5, s2;
	s8 =	smul.u32 $0x13C00, s8  }
0x5: {  	s2 =	simm.s32 $0x0;
	s5 =	ssub.s32 $0x2, s5;
	s7 =	smul.u32 $0x271, s6  }
0x6: {  	[smem:$0x7FF] =	sst s2;
	s6 =	sshll.u32 s6, $0x7;
	s31 =	sshrl.u32 s5, $0x1  }
0x7: {  	_ =	strace $0x80000047;
	s6 =	sand.u32 $0x380, s6;
	s5 =	ssub.s32 s5, s31  }
0x8: {  	s3 =	sadd.s32 s7, s3;
	s6 =	sor.u32 s8, s6;
	s5 =	smax.u32 s5, $0x1  }
0x9: {  	v0 =	vimm.f32 $0.0e+00;
	vm1 =	vcmask $0x1F00;
	s7 =	simm.s32 $0x1400;
	s8 =	simm.s32 $0x80;
	s6 =	sshrl.u32 s6, $0x3  }
0xa: {  	v1 =	vimm.f32 $1.000000000e+00;
	vm0 =	vmmov $0xff;
	v2 =	vsel vm1, $0x3F800000, v0;
	s3 =	sadd.s32 $0x1C00, s3;
	s4 =	sadd.s32 s4, s6;
	s6 =	simm.s32 $0x1  }
.LBB2_1:
0xb: {  	s10 =	simm.s32 $0x40;
	s11 =	simm.s32 $0x0  }
.LBB2_2:
0xc: {  	p0 =	sne.s32 s10, $0x9C00;
	[tilespmem:s11+$0x1400] =	vst v0;
	s11 =	smov.u32 s10;
	s10 =	sadd.s32 $0x40, s10  }
.Ltmp0:
0xd: {  	(pc) =	sbr.rel @p0 .LBB2_2-.Ltmp0, $2  }
0xe: {  	_ =	sdelay $0x2  }
0xf: {  	s11 =	sshra.s32 s11, $0x2  }
0x10: {  	[tilespmem:s11+$0x1400] =	vst v0;
	s10 =	simm.s32 $0x0  }
0x11: {  	[tilespmem:s10], [sflag:$0x1] =	stream.linear.gather [hbm4b:s3+s10], $0x1388, $0x38;
	[tilespmem:$0x3B80] =	vst v63  }
0x12: {  	_ =	swait.ge [sflag:s6], $0x1388  }
0x13: {  	[sflag:s6] =	ssyncset.done $0x0  }
0x14: {  	s11 =	simm.s32 $0x0;
	s10 =	simm.s32 $0x40;
	[sflag:s6] =	ssyncadd.s32 $0xFFFFEC78  }
.LBB2_4:
0x15: {  	p0 =	sne.s32 s10, $0x4DC0;
	v3 =	vld [tilespmem:s11+$0x0];
	_ =	sdelay $0x3  }
.Ltmp1:
0x16: {  	(pc) =	sbr.rel @p0 .LBB2_4-.Ltmp1, $2  }
0x17: {  	_ =	sdelay $0x2  }
0x18: {  	s11 =	sshra.s32 s10, $0x2;
	s10 =	sadd.s32 $0x40, s10;
	[tilespmem:v3+s7+$0x0] =	vst.idx.add.f32.msk $0xffff, v1  }
0x19: {  	v3 =	vld [tilespmem:s11+$0x0];
	_ =	sdelay $0x7  }
0x1a: {  	[tilespmem:v3+s7+$0x0] =	vst.idx.add.f32.msk $0xffff, v1  }
0x1b: {  	v3 =	vld [tilespmem:$0x1380];
	_ =	sdelay $0x4  }
0x1c: {  	v3 =	vnsel vm0, $0x0, v3;
	_ =	sdelay $0x2  }
0x1d: {  	s2 =	sadd.s32 $0x1, s2  }
0x1e: {  	p0 =	sne.s32 s2, s5  }
.Ltmp2:
0x1f: {  	[tilespmem:v3+s7+$0x0] =	vst.idx.add.f32.msk $0xffff, v2;
	(pc) =	sbr.rel @p0 .LBB2_1-.Ltmp2, $4  }
0x20: {  	[hbm4b:s4+s8] =	stream.strided.scatter [tilespmem:s7], [sflag:$0x1], $0x2780, s9, s8, $0x38;
	[tilespmem:$0x3B80] =	vst v63  }
0x21: {  	_ =	swait.ge [sflag:s6], $0x2780  }
0x22: {  	[sflag:s6] =	ssyncset.done $0x0  }
0x23: {  	[sflag:s6] =	ssyncadd.s32 $0xFFFFD880  }
0x24: {  	_ =	sfence.sel $0x180000  }
0x25: {  	[bflag:$0x0] =	sbarrier.arrive $0xFFFF  }
0x26: {  	p0 =	sne.s32 s0, $0x0;
	_ =	strace $0x90000047  }
0x27: {  	s0 =	sadd.s32 @!p0 $0x100000, s1;
	[bflag:$0x2] =	sbarrier.arrive $0xFFFF  }
0x28: {  	[sflag:s0] =	ssyncadd.tile.s32 @!p0 $0x1;
	_ =	shalt  }
.Lfunc_end2:
_tile_overlayer_lowered:
.L_overlay_start_2:
0x29: {  	(tag) =	ssettag $0x2  }
0x2a: {  	s0 =	rddreg [dreg:$0x0];
	s2 =	stileid.u32  }
0x2b: {  	s1 =	rddreg [dreg:$0x1];
	p0 =	sne.s32 s2, $0x0  }
0x2c: {  	s3 =	rddreg [dreg:$0x2];
	[bflag:$0x3] =	sbarrier.arrive $0xFFFF;
	s2 =	simm.s32 @!p0 $0x1C01  }
0x2d: {  	[timem:s3], [sflag:s2] =	dma.local @!p0 [hbm:s0], s1  }
0x2e: {  	s0 =	simm.s32 @!p0 $0x1  }
0x2f: {  	_ =	swait.ge @!p0 [sflag:s0], s1  }
0x30: {  	s1 =	ssub.s32 @!p0 $0x0, s1;
	[sflag:s0] =	ssyncset.done @!p0 $0x0  }
0x31: {  	[sflag:s0] =	ssyncadd.s32 @!p0 s1  }
0x32: {  	[bflag:$0x3] =	sbarrier.arrive $0xFFFF  }
0x33: {  	_ =	shalt  }

</sc_bundles>
